<compile_context>
chip_gen: v7x
topology: tpu7x:2x2x1
jax: 0.10.2.dev20260603
libtpu: 0.0.44.dev20260713+nightly
codegen_flags: <defaults>
</compile_context>

<pallas_src>
import functools

import jax
import jax.numpy as jnp
from jax import lax
from jax.experimental import pallas as pl
from jax.experimental.pallas import tpu as pltpu
from jax.experimental.pallas import tpu_sc as plsc

_N = 10000
_E = 320000
_D = 128
_G = 10
_NC = 2
_NS = 16
_NW = _NC * _NS
_EPT = _E // _NW

_K = 80
_CH = _EPT // _K

_mesh = plsc.VectorSubcoreMesh(core_axis_name="c", subcore_axis_name="s")


@functools.partial(
    pl.kernel,
    out_type=jax.ShapeDtypeStruct((_NC * _N, _D), jnp.float32),
    mesh=_mesh,
    scratch_types=[
        pltpu.VMEM_SHARED((_N, _D), jnp.float32),
        pltpu.VMEM((_EPT,), jnp.int32),
        pltpu.VMEM((_CH, _K), jnp.int32),
        pltpu.VMEM((_K, _D), jnp.float32),
        pltpu.VMEM((_K, _D), jnp.float32),
        pltpu.SemaphoreType.DMA,
        pltpu.SemaphoreType.DMA,
    ],
)
def _sc_agg(h_hbm, src_hbm, dst_hbm, zero_hbm, out_hbm,
            acc, srcs, dsts, rows0, rows1, semg0, semg1):
    cid = lax.axis_index("c")
    sid = lax.axis_index("s")
    wid = sid * _NC + cid
    ebase = wid * _EPT

    pltpu.sync_copy(src_hbm.at[pl.ds(ebase, _EPT)], srcs)
    pltpu.sync_copy(dst_hbm.at[wid], dsts)

    def _issue_g(ci, rows, semg):
        pltpu.async_copy(h_hbm.at[srcs.at[pl.ds(ci * _K, _K)]], rows, semg)

    def _wait_g(rows, semg):
        pltpu.make_async_copy(h_hbm.at[srcs.at[pl.ds(0, _K)]], rows,
                              semg).wait()

    _issue_g(0, rows0, semg0)
    _issue_g(1, rows1, semg1)

    @pl.when(sid < _G)
    def _zero_acc():
        pltpu.sync_copy(zero_hbm,
                        acc.at[pl.ds(sid * (_N // _G), _N // _G), :])
    plsc.subcore_barrier()

    def _finish(ci, rows, semg):
        _wait_g(rows, semg)
        pltpu.sync_copy(rows, acc.at[dsts.at[ci]], add=True)

    def _pair(g, c):
        i0 = 2 * g
        _finish(i0, rows0, semg0)
        _issue_g(i0 + 2, rows0, semg0)
        _finish(i0 + 1, rows1, semg1)
        _issue_g(i0 + 3, rows1, semg1)
        return c
    lax.fori_loop(0, (_CH - 3) // 2, _pair, 0)
    _finish(_CH - 3, rows0, semg0)
    _issue_g(_CH - 1, rows0, semg0)
    _finish(_CH - 2, rows1, semg1)
    _finish(_CH - 1, rows0, semg0)

    plsc.subcore_barrier()

    @pl.when(sid < _G)
    def _copy_out():
        o0 = sid * (_N // _G)
        pltpu.sync_copy(acc.at[pl.ds(o0, _N // _G), :],
                        out_hbm.at[pl.ds(cid * _N + o0, _N // _G), :])


_BR = 1000


def _dense_relu(p, w, b):
    def body(p_ref, w_ref, b_ref, o_ref):
        agg = p_ref[0] + p_ref[1]
        o_ref[:] = jnp.maximum(
            jnp.dot(agg, w_ref[:], preferred_element_type=jnp.float32)
            + b_ref[:], 0.0)
    return pl.pallas_call(
        body,
        grid=(_N // _BR,),
        in_specs=[
            pl.BlockSpec((2, _BR, _D), lambda i: (0, i, 0)),
            pl.BlockSpec((_D, _D), lambda i: (0, 0)),
            pl.BlockSpec((1, _D), lambda i: (0, 0)),
        ],
        out_specs=pl.BlockSpec((_BR, _D), lambda i: (i, 0)),
        out_shape=jax.ShapeDtypeStruct((_N, _D), jnp.float32),
    )(p, w, b)


def _proj_readout(p, wf, bf, gs):
    def body(p_ref, wf_ref, bf_ref, gs_ref, o_ref):
        agg = p_ref[0] + p_ref[1]
        u = jnp.dot(agg, wf_ref[:],
                    preferred_element_type=jnp.float32) + bf_ref[0]
        s = jax.nn.sigmoid(u)
        i = pl.program_id(0)
        denom = gs_ref[i].astype(jnp.float32)
        o_ref[i] = jnp.sum(s) / denom
    return pl.pallas_call(
        body,
        grid=(_G,),
        in_specs=[
            pl.BlockSpec((2, _BR, _D), lambda i: (0, i, 0)),
            pl.BlockSpec((_D, 1), lambda i: (0, 0)),
            pl.BlockSpec(memory_space=pltpu.SMEM),
            pl.BlockSpec(memory_space=pltpu.SMEM),
        ],
        out_specs=pl.BlockSpec(memory_space=pltpu.SMEM),
        out_shape=jax.ShapeDtypeStruct((_G,), jnp.float32),
    )(p, wf, bf, gs)


def kernel(X, A, graph_sizes, W1, b1, W2, b2, Wf, bf):
    src = A[0]
    dst3 = A[1].reshape(_NW, _CH, _K)
    zero = jnp.zeros((_N // _G, _D), jnp.float32)

    p1 = _sc_agg(X, src, dst3, zero).reshape(_NC, _N, _D)
    h1 = _dense_relu(p1, W1, b1.reshape(1, _D))
    p2 = _sc_agg(h1, src, dst3, zero).reshape(_NC, _N, _D)
    h2 = _dense_relu(p2, W2, b2.reshape(1, _D))
    p3 = _sc_agg(h2, src, dst3, zero).reshape(_NC, _N, _D)
    return _proj_readout(p3, Wf, bf, graph_sizes)

# --- scband reference (transcript-rebuilt; emitter-appended) ---
"""Pipeline reference for scband-gnn-37761352466454 (READ-ONLY COPY).

The authoritative reference and input builder live on the scoring server;
editing this copy changes nothing except your own understanding.
"""

import jax, jax.numpy as jnp
import numpy as np

N = 10000
E = 320000
D = 128
H1 = 128
H2 = 128
C = 1
G = 10


def setup_inputs(seed: int = 0) -> dict:
    key = jax.random.key(seed)
    ks = jax.random.split(key, 8)
    X = jax.random.normal(ks[0], (N, D), dtype=jnp.float32)
    A = jax.random.randint(ks[1], (2, E), 0, N)
    graph_sizes = jnp.full((G,), N // G, dtype=jnp.int32)
    W1 = jax.random.normal(ks[2], (D, H1), dtype=jnp.float32) * (1.0 / np.sqrt(D))
    b1 = jnp.zeros((H1,), dtype=jnp.float32)
    W2 = jax.random.normal(ks[3], (H1, H2), dtype=jnp.float32) * (1.0 / np.sqrt(H1))
    b2 = jnp.zeros((H2,), dtype=jnp.float32)
    Wf = jax.random.normal(ks[4], (H2, C), dtype=jnp.float32) * (1.0 / np.sqrt(H2))
    bf = jnp.zeros((C,), dtype=jnp.float32)
    return {"X": X, "A": A, "graph_sizes": graph_sizes, "W1": W1, "b1": b1, "W2": W2, "b2": b2, "Wf": Wf, "bf": bf}


def _gcn_layer(h, src, dst, W, b):
    # message passing: gather source node features, scatter-add into dst (A @ h), then linear
    msg = jnp.take(h, src, axis=0)
    agg = jax.ops.segment_sum(msg, dst, num_segments=N)
    return agg @ W + b


def reference(X, A, graph_sizes, W1, b1, W2, b2, Wf, bf):
    src = A[0]
    dst = A[1]
    # hidden graph convs: conv -> relu -> dropout(p=0.0, identity)
    h = jax.nn.relu(_gcn_layer(X, src, dst, W1, b1))
    h = jax.nn.relu(_gcn_layer(h, src, dst, W2, b2))
    # final conv -> sigmoid
    out = jax.nn.sigmoid(_gcn_layer(h, src, dst, Wf, bf))  # [N, C]
    # per-graph mean readout: out.split(graph_sizes) -> g.mean()
    gid = jnp.repeat(jnp.arange(G), graph_sizes, total_repeat_length=N)
    sums = jax.ops.segment_sum(jnp.sum(out, axis=1), gid, num_segments=G)
    denom = graph_sizes.astype(jnp.float32) * out.shape[1]
    return sums / denom


if False:  # reference __main__ guard neutralized (emitter)
    inp = setup_inputs()
    o = reference(**inp)
    print(o.shape, o.dtype)

if __name__ == "__main__":
    import jax
    _d = setup_inputs()
    print(jax.jit(kernel)(*tuple(_d.values())))

</pallas_src>

<mosaic_0001>
#map = affine_map<(d0, d1) -> (0, 0)>
#map1 = affine_map<(d0, d1) -> (0)>
#map2 = affine_map<(d0, d1) -> (0, 0, 0)>
module attributes {stable_mosaic.version = 14 : i64} {
  func.func @_sc_agg(%arg0: i32, %arg1: i32, %arg2: memref<10000x128xf32, #tpu.memory_space<hbm>>, %arg3: memref<320000xi32, #tpu.memory_space<hbm>>, %arg4: memref<32x125x80xi32, #tpu.memory_space<hbm>>, %arg5: memref<1000x128xf32, #tpu.memory_space<hbm>>, %arg6: memref<20000x128xf32, #tpu.memory_space<hbm>>, %arg7: memref<10000x128xf32, #tpu.memory_space<vmem_shared>>, %arg8: memref<10000xi32, #tpu.memory_space<vmem>>, %arg9: memref<125x80xi32, #tpu.memory_space<vmem>>, %arg10: memref<80x128xf32, #tpu.memory_space<vmem>>, %arg11: memref<80x128xf32, #tpu.memory_space<vmem>>, %arg12: memref<!tpu.dma_semaphore, #tpu.memory_space<semaphore_mem>>, %arg13: memref<!tpu.dma_semaphore, #tpu.memory_space<semaphore_mem>>) attributes {dimension_semantics = [#tpu.dimension_semantics<core_parallel>, #tpu.dimension_semantics<subcore_parallel>], iteration_bounds = array<i64: 2, 16>, scalar_prefetch = 0 : i64, scratch_operands = 7 : i64, tpu.core_type = #tpu.core_type<sc_vector_subcore>, window_params = [{transform_indices = #map}, {transform_indices = #map1}, {transform_indices = #map2}, {transform_indices = #map}, {transform_indices = #map}]} {
    %mul3A = arith.constant 2 : i32
    %mul3A_0 = arith.muli %arg1, %mul3A : i32
    %add3A = arith.addi %mul3A_0, %arg0 : i32
    %mul3A_1 = arith.constant 10000 : i32
    %mul3A_2 = arith.muli %add3A, %mul3A_1 : i32
    "tpu.region"() ({
      %run_scoped3A_46 = tpu.sem_alloc : memref<!tpu.dma_semaphore, #tpu.memory_space<semaphore_mem>>
      %dma_start3A_47 = tpu.memref_slice %arg3[%mul3A_2] : memref<320000xi32, #tpu.memory_space<hbm>> -> memref<10000xi32, #tpu.memory_space<hbm>>
      %dma_start3A_48 = tpu.memref_slice %arg3[%mul3A_2] : memref<320000xi32, #tpu.memory_space<hbm>> -> memref<10000xi32, #tpu.memory_space<hbm>>
      tpu.enqueue_dma source(%dma_start3A_48 : memref<10000xi32, #tpu.memory_space<hbm>>) target(%arg8 : memref<10000xi32, #tpu.memory_space<vmem>>) target_semaphore(%run_scoped3A_46 : memref<!tpu.dma_semaphore, #tpu.memory_space<semaphore_mem>>)
      %dma_wait3A_49 = tpu.memref_slice %arg3[%mul3A_2] : memref<320000xi32, #tpu.memory_space<hbm>> -> memref<10000xi32, #tpu.memory_space<hbm>>
      %dma_wait3A_50 = tpu.memref_slice %arg3[%mul3A_2] : memref<320000xi32, #tpu.memory_space<hbm>> -> memref<10000xi32, #tpu.memory_space<hbm>>
      tpu.wait_dma2 semaphore(%run_scoped3A_46 : memref<!tpu.dma_semaphore, #tpu.memory_space<semaphore_mem>>) src(%dma_wait3A_50 : memref<10000xi32, #tpu.memory_space<hbm>>) dst(%arg8 : memref<10000xi32, #tpu.memory_space<vmem>>)
      tpu.yield
    }) : () -> ()
    "tpu.region"() ({
      %run_scoped3A_46 = tpu.sem_alloc : memref<!tpu.dma_semaphore, #tpu.memory_space<semaphore_mem>>
      %dma_start3A_47 = arith.constant 0 : i32
      %dma_start3A_48 = arith.constant 0 : i32
      %dma_start3A_49 = tpu.memref_slice %arg4[%add3A, %dma_start3A_47, %dma_start3A_48] : memref<32x125x80xi32, #tpu.memory_space<hbm>> -> memref<1x125x80xi32, #tpu.memory_space<hbm>>
      %dma_start3A_50 = tpu.memref_squeeze %dma_start3A_49 : memref<1x125x80xi32, #tpu.memory_space<hbm>> -> memref<125x80xi32, #tpu.memory_space<hbm>>
      %dma_start3A_51 = arith.constant 0 : i32
      %dma_start3A_52 = arith.constant 0 : i32
      %dma_start3A_53 = tpu.memref_slice %arg4[%add3A, %dma_start3A_51, %dma_start3A_52] : memref<32x125x80xi32, #tpu.memory_space<hbm>> -> memref<1x125x80xi32, #tpu.memory_space<hbm>>
      %dma_start3A_54 = tpu.memref_squeeze %dma_start3A_53 : memref<1x125x80xi32, #tpu.memory_space<hbm>> -> memref<125x80xi32, #tpu.memory_space<hbm>>
      tpu.enqueue_dma source(%dma_start3A_54 : memref<125x80xi32, #tpu.memory_space<hbm>>) target(%arg9 : memref<125x80xi32, #tpu.memory_space<vmem>>) target_semaphore(%run_scoped3A_46 : memref<!tpu.dma_semaphore, #tpu.memory_space<semaphore_mem>>)
      %dma_wait3A_55 = arith.constant 0 : i32
      %dma_wait3A_56 = arith.constant 0 : i32
      %dma_wait3A_57 = tpu.memref_slice %arg4[%add3A, %dma_wait3A_55, %dma_wait3A_56] : memref<32x125x80xi32, #tpu.memory_space<hbm>> -> memref<1x125x80xi32, #tpu.memory_space<hbm>>
      %dma_wait3A_58 = tpu.memref_squeeze %dma_wait3A_57 : memref<1x125x80xi32, #tpu.memory_space<hbm>> -> memref<125x80xi32, #tpu.memory_space<hbm>>
      %dma_wait3A_59 = arith.constant 0 : i32
      %dma_wait3A_60 = arith.constant 0 : i32
      %dma_wait3A_61 = tpu.memref_slice %arg4[%add3A, %dma_wait3A_59, %dma_wait3A_60] : memref<32x125x80xi32, #tpu.memory_space<hbm>> -> memref<1x125x80xi32, #tpu.memory_space<hbm>>
      %dma_wait3A_62 = tpu.memref_squeeze %dma_wait3A_61 : memref<1x125x80xi32, #tpu.memory_space<hbm>> -> memref<125x80xi32, #tpu.memory_space<hbm>>
      tpu.wait_dma2 semaphore(%run_scoped3A_46 : memref<!tpu.dma_semaphore, #tpu.memory_space<semaphore_mem>>) src(%dma_wait3A_62 : memref<125x80xi32, #tpu.memory_space<hbm>>) dst(%arg9 : memref<125x80xi32, #tpu.memory_space<vmem>>)
      tpu.yield
    }) : () -> ()
    %dma_start3A = arith.constant 0 : i32
    %dma_start3A_3 = tpu.memref_slice %arg8[%dma_start3A] : memref<10000xi32, #tpu.memory_space<vmem>> -> memref<80xi32, #tpu.memory_space<vmem>>
    %dma_start3A_4 = arith.constant 0 : i32
    %dma_start3A_5 = arith.constant 0 : i32
    %dma_start3A_6 = tpu.memref_slice %arg2[%dma_start3A_4, %dma_start3A_5] : memref<10000x128xf32, #tpu.memory_space<hbm>> -> memref<10000x128xf32, #tpu.memory_space<hbm>>
    tpu.enqueue_indirect_dma source(%dma_start3A_6 : memref<10000x128xf32, #tpu.memory_space<hbm>>) target(%arg10 : memref<80x128xf32, #tpu.memory_space<vmem>>) offsets(%dma_start3A_3 : memref<80xi32, #tpu.memory_space<vmem>>) semaphore(%arg12 : memref<!tpu.dma_semaphore, #tpu.memory_space<semaphore_mem>>)
    %dma_start3A_7 = arith.constant 80 : i32
    %dma_start3A_8 = tpu.memref_slice %arg8[%dma_start3A_7] : memref<10000xi32, #tpu.memory_space<vmem>> -> memref<80xi32, #tpu.memory_space<vmem>>
    %dma_start3A_9 = arith.constant 0 : i32
    %dma_start3A_10 = arith.constant 0 : i32
    %dma_start3A_11 = tpu.memref_slice %arg2[%dma_start3A_9, %dma_start3A_10] : memref<10000x128xf32, #tpu.memory_space<hbm>> -> memref<10000x128xf32, #tpu.memory_space<hbm>>
    tpu.enqueue_indirect_dma source(%dma_start3A_11 : memref<10000x128xf32, #tpu.memory_space<hbm>>) target(%arg11 : memref<80x128xf32, #tpu.memory_space<vmem>>) offsets(%dma_start3A_8 : memref<80xi32, #tpu.memory_space<vmem>>) semaphore(%arg13 : memref<!tpu.dma_semaphore, #tpu.memory_space<semaphore_mem>>)
    %lt3A = arith.constant 10 : i32
    %lt3A_12 = arith.cmpi slt, %arg1, %lt3A : i32
    %convert_element_type3A = arith.extui %lt3A_12 : i1 to i32
    %cond3A = arith.constant 0 : i32
    %cond3A_13 = arith.cmpi ne, %convert_element_type3A, %cond3A : i32
    scf.if %cond3A_13 {
      %mul3A_46 = arith.constant 1000 : i32
      %mul3A_47 = arith.muli %arg1, %mul3A_46 : i32
      "tpu.region"() ({
        %run_scoped3A_48 = tpu.sem_alloc : memref<!tpu.dma_semaphore, #tpu.memory_space<semaphore_mem>>
        %dma_start3A_49 = arith.constant 0 : i32
        %dma_start3A_50 = tpu.memref_slice %arg7[%mul3A_47, %dma_start3A_49] : memref<10000x128xf32, #tpu.memory_space<vmem_shared>> -> memref<1000x128xf32, #tpu.memory_space<vmem_shared>>
        tpu.enqueue_dma source(%arg5 : memref<1000x128xf32, #tpu.memory_space<hbm>>) target(%dma_start3A_50 : memref<1000x128xf32, #tpu.memory_space<vmem_shared>>) target_semaphore(%run_scoped3A_48 : memref<!tpu.dma_semaphore, #tpu.memory_space<semaphore_mem>>)
        %dma_wait3A_51 = arith.constant 0 : i32
        %dma_wait3A_52 = tpu.memref_slice %arg7[%mul3A_47, %dma_wait3A_51] : memref<10000x128xf32, #tpu.memory_space<vmem_shared>> -> memref<1000x128xf32, #tpu.memory_space<vmem_shared>>
        tpu.wait_dma2 semaphore(%run_scoped3A_48 : memref<!tpu.dma_semaphore, #tpu.memory_space<semaphore_mem>>) src(%arg5 : memref<1000x128xf32, #tpu.memory_space<hbm>>) dst(%dma_wait3A_52 : memref<1000x128xf32, #tpu.memory_space<vmem_shared>>)
        tpu.yield
      }) : () -> ()
    } else {
    }
    %barrier3A = arith.constant 0 : index
    tpu.barrier barrier_id(%barrier3A)
    %scan3A = arith.constant 0 : i32
    %scan3A_14 = arith.constant 0 : i32
    %scan3A_15 = arith.constant 61 : i32
    %scan3A_16 = arith.addi %scan3A_14, %scan3A_15 : i32
    %scan3A_17 = arith.constant 1 : i32
    scf.for %scan3A_46 = %scan3A_14 to %scan3A_16 step %scan3A_17  : i32 {
      %mul3A_47 = arith.constant 2 : i32
      %mul3A_48 = arith.muli %mul3A_47, %scan3A_46 : i32
      %dma_wait3A_49 = arith.constant 0 : i32
      %dma_wait3A_50 = tpu.memref_slice %arg8[%dma_wait3A_49] : memref<10000xi32, #tpu.memory_space<vmem>> -> memref<80xi32, #tpu.memory_space<vmem>>
      %dma_wait3A_51 = arith.constant 0 : i32
      %dma_wait3A_52 = arith.constant 0 : i32
      %dma_wait3A_53 = tpu.memref_slice %arg2[%dma_wait3A_51, %dma_wait3A_52] : memref<10000x128xf32, #tpu.memory_space<hbm>> -> memref<10000x128xf32, #tpu.memory_space<hbm>>
      tpu.wait_indirect_dma semaphore(%arg12 : memref<!tpu.dma_semaphore, #tpu.memory_space<semaphore_mem>>) src(%dma_wait3A_53 : memref<10000x128xf32, #tpu.memory_space<hbm>>) dst(%arg10 : memref<80x128xf32, #tpu.memory_space<vmem>>)
      "tpu.region"() ({
        %run_scoped3A_77 = tpu.sem_alloc : memref<!tpu.dma_semaphore, #tpu.memory_space<semaphore_mem>>
        %dma_start3A_78 = arith.constant 0 : i32
        %dma_start3A_79 = tpu.memref_slice %arg9[%mul3A_48, %dma_start3A_78] : memref<125x80xi32, #tpu.memory_space<vmem>> -> memref<1x80xi32, #tpu.memory_space<vmem>>
        %dma_start3A_80 = tpu.memref_squeeze %dma_start3A_79 : memref<1x80xi32, #tpu.memory_space<vmem>> -> memref<80xi32, #tpu.memory_space<vmem>>
        %dma_start3A_81 = arith.constant 0 : i32
        %dma_start3A_82 = arith.constant 0 : i32
        %dma_start3A_83 = tpu.memref_slice %arg7[%dma_start3A_81, %dma_start3A_82] : memref<10000x128xf32, #tpu.memory_space<vmem_shared>> -> memref<10000x128xf32, #tpu.memory_space<vmem_shared>>
        tpu.enqueue_indirect_dma source(%arg10 : memref<80x128xf32, #tpu.memory_space<vmem>>) target(%dma_start3A_83 : memref<10000x128xf32, #tpu.memory_space<vmem_shared>>) offsets(%dma_start3A_80 : memref<80xi32, #tpu.memory_space<vmem>>) semaphore(%run_scoped3A_77 : memref<!tpu.dma_semaphore, #tpu.memory_space<semaphore_mem>>) {add = true}
        %dma_wait3A_84 = arith.constant 0 : i32
        %dma_wait3A_85 = tpu.memref_slice %arg9[%mul3A_48, %dma_wait3A_84] : memref<125x80xi32, #tpu.memory_space<vmem>> -> memref<1x80xi32, #tpu.memory_space<vmem>>
        %dma_wait3A_86 = tpu.memref_squeeze %dma_wait3A_85 : memref<1x80xi32, #tpu.memory_space<vmem>> -> memref<80xi32, #tpu.memory_space<vmem>>
        %dma_wait3A_87 = arith.constant 0 : i32
        %dma_wait3A_88 = arith.constant 0 : i32
        %dma_wait3A_89 = tpu.memref_slice %arg7[%dma_wait3A_87, %dma_wait3A_88] : memref<10000x128xf32, #tpu.memory_space<vmem_shared>> -> memref<10000x128xf32, #tpu.memory_space<vmem_shared>>
        tpu.wait_indirect_dma semaphore(%run_scoped3A_77 : memref<!tpu.dma_semaphore, #tpu.memory_space<semaphore_mem>>) src(%arg10 : memref<80x128xf32, #tpu.memory_space<vmem>>) dst(%dma_wait3A_89 : memref<10000x128xf32, #tpu.memory_space<vmem_shared>>)
        tpu.yield
      }) : () -> ()
      %add3A_54 = arith.constant 2 : i32
      %add3A_55 = arith.addi %mul3A_48, %add3A_54 : i32
      %mul3A_56 = arith.constant 80 : i32
      %mul3A_57 = arith.muli %add3A_55, %mul3A_56 : i32
      %dma_start3A_58 = tpu.memref_slice %arg8[%mul3A_57] : memref<10000xi32, #tpu.memory_space<vmem>> -> memref<80xi32, #tpu.memory_space<vmem>>
      %dma_start3A_59 = arith.constant 0 : i32
      %dma_start3A_60 = arith.constant 0 : i32
      %dma_start3A_61 = tpu.memref_slice %arg2[%dma_start3A_59, %dma_start3A_60] : memref<10000x128xf32, #tpu.memory_space<hbm>> -> memref<10000x128xf32, #tpu.memory_space<hbm>>
      tpu.enqueue_indirect_dma source(%dma_start3A_61 : memref<10000x128xf32, #tpu.memory_space<hbm>>) target(%arg10 : memref<80x128xf32, #tpu.memory_space<vmem>>) offsets(%dma_start3A_58 : memref<80xi32, #tpu.memory_space<vmem>>) semaphore(%arg12 : memref<!tpu.dma_semaphore, #tpu.memory_space<semaphore_mem>>)
      %add3A_62 = arith.constant 1 : i32
      %add3A_63 = arith.addi %mul3A_48, %add3A_62 : i32
      %dma_wait3A_64 = arith.constant 0 : i32
      %dma_wait3A_65 = tpu.memref_slice %arg8[%dma_wait3A_64] : memref<10000xi32, #tpu.memory_space<vmem>> -> memref<80xi32, #tpu.memory_space<vmem>>
      %dma_wait3A_66 = arith.constant 0 : i32
      %dma_wait3A_67 = arith.constant 0 : i32
      %dma_wait3A_68 = tpu.memref_slice %arg2[%dma_wait3A_66, %dma_wait3A_67] : memref<10000x128xf32, #tpu.memory_space<hbm>> -> memref<10000x128xf32, #tpu.memory_space<hbm>>
      tpu.wait_indirect_dma semaphore(%arg13 : memref<!tpu.dma_semaphore, #tpu.memory_space<semaphore_mem>>) src(%dma_wait3A_68 : memref<10000x128xf32, #tpu.memory_space<hbm>>) dst(%arg11 : memref<80x128xf32, #tpu.memory_space<vmem>>)
      "tpu.region"() ({
        %run_scoped3A_77 = tpu.sem_alloc : memref<!tpu.dma_semaphore, #tpu.memory_space<semaphore_mem>>
        %dma_start3A_78 = arith.constant 0 : i32
        %dma_start3A_79 = tpu.memref_slice %arg9[%add3A_63, %dma_start3A_78] : memref<125x80xi32, #tpu.memory_space<vmem>> -> memref<1x80xi32, #tpu.memory_space<vmem>>
        %dma_start3A_80 = tpu.memref_squeeze %dma_start3A_79 : memref<1x80xi32, #tpu.memory_space<vmem>> -> memref<80xi32, #tpu.memory_space<vmem>>
        %dma_start3A_81 = arith.constant 0 : i32
        %dma_start3A_82 = arith.constant 0 : i32
        %dma_start3A_83 = tpu.memref_slice %arg7[%dma_start3A_81, %dma_start3A_82] : memref<10000x128xf32, #tpu.memory_space<vmem_shared>> -> memref<10000x128xf32, #tpu.memory_space<vmem_shared>>
        tpu.enqueue_indirect_dma source(%arg11 : memref<80x128xf32, #tpu.memory_space<vmem>>) target(%dma_start3A_83 : memref<10000x128xf32, #tpu.memory_space<vmem_shared>>) offsets(%dma_start3A_80 : memref<80xi32, #tpu.memory_space<vmem>>) semaphore(%run_scoped3A_77 : memref<!tpu.dma_semaphore, #tpu.memory_space<semaphore_mem>>) {add = true}
        %dma_wait3A_84 = arith.constant 0 : i32
        %dma_wait3A_85 = tpu.memref_slice %arg9[%add3A_63, %dma_wait3A_84] : memref<125x80xi32, #tpu.memory_space<vmem>> -> memref<1x80xi32, #tpu.memory_space<vmem>>
        %dma_wait3A_86 = tpu.memref_squeeze %dma_wait3A_85 : memref<1x80xi32, #tpu.memory_space<vmem>> -> memref<80xi32, #tpu.memory_space<vmem>>
        %dma_wait3A_87 = arith.constant 0 : i32
        %dma_wait3A_88 = arith.constant 0 : i32
        %dma_wait3A_89 = tpu.memref_slice %arg7[%dma_wait3A_87, %dma_wait3A_88] : memref<10000x128xf32, #tpu.memory_space<vmem_shared>> -> memref<10000x128xf32, #tpu.memory_space<vmem_shared>>
        tpu.wait_indirect_dma semaphore(%run_scoped3A_77 : memref<!tpu.dma_semaphore, #tpu.memory_space<semaphore_mem>>) src(%arg11 : memref<80x128xf32, #tpu.memory_space<vmem>>) dst(%dma_wait3A_89 : memref<10000x128xf32, #tpu.memory_space<vmem_shared>>)
        tpu.yield
      }) : () -> ()
      %add3A_69 = arith.constant 3 : i32
      %add3A_70 = arith.addi %mul3A_48, %add3A_69 : i32
      %mul3A_71 = arith.constant 80 : i32
      %mul3A_72 = arith.muli %add3A_70, %mul3A_71 : i32
      %dma_start3A_73 = tpu.memref_slice %arg8[%mul3A_72] : memref<10000xi32, #tpu.memory_space<vmem>> -> memref<80xi32, #tpu.memory_space<vmem>>
      %dma_start3A_74 = arith.constant 0 : i32
      %dma_start3A_75 = arith.constant 0 : i32
      %dma_start3A_76 = tpu.memref_slice %arg2[%dma_start3A_74, %dma_start3A_75] : memref<10000x128xf32, #tpu.memory_space<hbm>> -> memref<10000x128xf32, #tpu.memory_space<hbm>>
      tpu.enqueue_indirect_dma source(%dma_start3A_76 : memref<10000x128xf32, #tpu.memory_space<hbm>>) target(%arg11 : memref<80x128xf32, #tpu.memory_space<vmem>>) offsets(%dma_start3A_73 : memref<80xi32, #tpu.memory_space<vmem>>) semaphore(%arg13 : memref<!tpu.dma_semaphore, #tpu.memory_space<semaphore_mem>>)
    }
    %scan3A_18 = arith.constant 61 : i32
    %dma_wait3A = arith.constant 0 : i32
    %dma_wait3A_19 = tpu.memref_slice %arg8[%dma_wait3A] : memref<10000xi32, #tpu.memory_space<vmem>> -> memref<80xi32, #tpu.memory_space<vmem>>
    %dma_wait3A_20 = arith.constant 0 : i32
    %dma_wait3A_21 = arith.constant 0 : i32
    %dma_wait3A_22 = tpu.memref_slice %arg2[%dma_wait3A_20, %dma_wait3A_21] : memref<10000x128xf32, #tpu.memory_space<hbm>> -> memref<10000x128xf32, #tpu.memory_space<hbm>>
    tpu.wait_indirect_dma semaphore(%arg12 : memref<!tpu.dma_semaphore, #tpu.memory_space<semaphore_mem>>) src(%dma_wait3A_22 : memref<10000x128xf32, #tpu.memory_space<hbm>>) dst(%arg10 : memref<80x128xf32, #tpu.memory_space<vmem>>)
    %run_scoped3A = arith.constant 122 : i32
    "tpu.region"() ({
      %run_scoped3A_46 = tpu.sem_alloc : memref<!tpu.dma_semaphore, #tpu.memory_space<semaphore_mem>>
      %dma_start3A_47 = arith.constant 0 : i32
      %dma_start3A_48 = tpu.memref_slice %arg9[%run_scoped3A, %dma_start3A_47] : memref<125x80xi32, #tpu.memory_space<vmem>> -> memref<1x80xi32, #tpu.memory_space<vmem>>
      %dma_start3A_49 = tpu.memref_squeeze %dma_start3A_48 : memref<1x80xi32, #tpu.memory_space<vmem>> -> memref<80xi32, #tpu.memory_space<vmem>>
      %dma_start3A_50 = arith.constant 0 : i32
      %dma_start3A_51 = arith.constant 0 : i32
      %dma_start3A_52 = tpu.memref_slice %arg7[%dma_start3A_50, %dma_start3A_51] : memref<10000x128xf32, #tpu.memory_space<vmem_shared>> -> memref<10000x128xf32, #tpu.memory_space<vmem_shared>>
      tpu.enqueue_indirect_dma source(%arg10 : memref<80x128xf32, #tpu.memory_space<vmem>>) target(%dma_start3A_52 : memref<10000x128xf32, #tpu.memory_space<vmem_shared>>) offsets(%dma_start3A_49 : memref<80xi32, #tpu.memory_space<vmem>>) semaphore(%run_scoped3A_46 : memref<!tpu.dma_semaphore, #tpu.memory_space<semaphore_mem>>) {add = true}
      %dma_wait3A_53 = arith.constant 0 : i32
      %dma_wait3A_54 = tpu.memref_slice %arg9[%run_scoped3A, %dma_wait3A_53] : memref<125x80xi32, #tpu.memory_space<vmem>> -> memref<1x80xi32, #tpu.memory_space<vmem>>
      %dma_wait3A_55 = tpu.memref_squeeze %dma_wait3A_54 : memref<1x80xi32, #tpu.memory_space<vmem>> -> memref<80xi32, #tpu.memory_space<vmem>>
      %dma_wait3A_56 = arith.constant 0 : i32
      %dma_wait3A_57 = arith.constant 0 : i32
      %dma_wait3A_58 = tpu.memref_slice %arg7[%dma_wait3A_56, %dma_wait3A_57] : memref<10000x128xf32, #tpu.memory_space<vmem_shared>> -> memref<10000x128xf32, #tpu.memory_space<vmem_shared>>
      tpu.wait_indirect_dma semaphore(%run_scoped3A_46 : memref<!tpu.dma_semaphore, #tpu.memory_space<semaphore_mem>>) src(%arg10 : memref<80x128xf32, #tpu.memory_space<vmem>>) dst(%dma_wait3A_58 : memref<10000x128xf32, #tpu.memory_space<vmem_shared>>)
      tpu.yield
    }) : () -> ()
    %dma_start3A_23 = arith.constant 9920 : i32
    %dma_start3A_24 = tpu.memref_slice %arg8[%dma_start3A_23] : memref<10000xi32, #tpu.memory_space<vmem>> -> memref<80xi32, #tpu.memory_space<vmem>>
    %dma_start3A_25 = arith.constant 0 : i32
    %dma_start3A_26 = arith.constant 0 : i32
    %dma_start3A_27 = tpu.memref_slice %arg2[%dma_start3A_25, %dma_start3A_26] : memref<10000x128xf32, #tpu.memory_space<hbm>> -> memref<10000x128xf32, #tpu.memory_space<hbm>>
    tpu.enqueue_indirect_dma source(%dma_start3A_27 : memref<10000x128xf32, #tpu.memory_space<hbm>>) target(%arg10 : memref<80x128xf32, #tpu.memory_space<vmem>>) offsets(%dma_start3A_24 : memref<80xi32, #tpu.memory_space<vmem>>) semaphore(%arg12 : memref<!tpu.dma_semaphore, #tpu.memory_space<semaphore_mem>>)
    %dma_wait3A_28 = arith.constant 0 : i32
    %dma_wait3A_29 = tpu.memref_slice %arg8[%dma_wait3A_28] : memref<10000xi32, #tpu.memory_space<vmem>> -> memref<80xi32, #tpu.memory_space<vmem>>
    %dma_wait3A_30 = arith.constant 0 : i32
    %dma_wait3A_31 = arith.constant 0 : i32
    %dma_wait3A_32 = tpu.memref_slice %arg2[%dma_wait3A_30, %dma_wait3A_31] : memref<10000x128xf32, #tpu.memory_space<hbm>> -> memref<10000x128xf32, #tpu.memory_space<hbm>>
    tpu.wait_indirect_dma semaphore(%arg13 : memref<!tpu.dma_semaphore, #tpu.memory_space<semaphore_mem>>) src(%dma_wait3A_32 : memref<10000x128xf32, #tpu.memory_space<hbm>>) dst(%arg11 : memref<80x128xf32, #tpu.memory_space<vmem>>)
    %run_scoped3A_33 = arith.constant 123 : i32
    "tpu.region"() ({
      %run_scoped3A_46 = tpu.sem_alloc : memref<!tpu.dma_semaphore, #tpu.memory_space<semaphore_mem>>
      %dma_start3A_47 = arith.constant 0 : i32
      %dma_start3A_48 = tpu.memref_slice %arg9[%run_scoped3A_33, %dma_start3A_47] : memref<125x80xi32, #tpu.memory_space<vmem>> -> memref<1x80xi32, #tpu.memory_space<vmem>>
      %dma_start3A_49 = tpu.memref_squeeze %dma_start3A_48 : memref<1x80xi32, #tpu.memory_space<vmem>> -> memref<80xi32, #tpu.memory_space<vmem>>
      %dma_start3A_50 = arith.constant 0 : i32
      %dma_start3A_51 = arith.constant 0 : i32
      %dma_start3A_52 = tpu.memref_slice %arg7[%dma_start3A_50, %dma_start3A_51] : memref<10000x128xf32, #tpu.memory_space<vmem_shared>> -> memref<10000x128xf32, #tpu.memory_space<vmem_shared>>
      tpu.enqueue_indirect_dma source(%arg11 : memref<80x128xf32, #tpu.memory_space<vmem>>) target(%dma_start3A_52 : memref<10000x128xf32, #tpu.memory_space<vmem_shared>>) offsets(%dma_start3A_49 : memref<80xi32, #tpu.memory_space<vmem>>) semaphore(%run_scoped3A_46 : memref<!tpu.dma_semaphore, #tpu.memory_space<semaphore_mem>>) {add = true}
      %dma_wait3A_53 = arith.constant 0 : i32
      %dma_wait3A_54 = tpu.memref_slice %arg9[%run_scoped3A_33, %dma_wait3A_53] : memref<125x80xi32, #tpu.memory_space<vmem>> -> memref<1x80xi32, #tpu.memory_space<vmem>>
      %dma_wait3A_55 = tpu.memref_squeeze %dma_wait3A_54 : memref<1x80xi32, #tpu.memory_space<vmem>> -> memref<80xi32, #tpu.memory_space<vmem>>
      %dma_wait3A_56 = arith.constant 0 : i32
      %dma_wait3A_57 = arith.constant 0 : i32
      %dma_wait3A_58 = tpu.memref_slice %arg7[%dma_wait3A_56, %dma_wait3A_57] : memref<10000x128xf32, #tpu.memory_space<vmem_shared>> -> memref<10000x128xf32, #tpu.memory_space<vmem_shared>>
      tpu.wait_indirect_dma semaphore(%run_scoped3A_46 : memref<!tpu.dma_semaphore, #tpu.memory_space<semaphore_mem>>) src(%arg11 : memref<80x128xf32, #tpu.memory_space<vmem>>) dst(%dma_wait3A_58 : memref<10000x128xf32, #tpu.memory_space<vmem_shared>>)
      tpu.yield
    }) : () -> ()
    %dma_wait3A_34 = arith.constant 0 : i32
    %dma_wait3A_35 = tpu.memref_slice %arg8[%dma_wait3A_34] : memref<10000xi32, #tpu.memory_space<vmem>> -> memref<80xi32, #tpu.memory_space<vmem>>
    %dma_wait3A_36 = arith.constant 0 : i32
    %dma_wait3A_37 = arith.constant 0 : i32
    %dma_wait3A_38 = tpu.memref_slice %arg2[%dma_wait3A_36, %dma_wait3A_37] : memref<10000x128xf32, #tpu.memory_space<hbm>> -> memref<10000x128xf32, #tpu.memory_space<hbm>>
    tpu.wait_indirect_dma semaphore(%arg12 : memref<!tpu.dma_semaphore, #tpu.memory_space<semaphore_mem>>) src(%dma_wait3A_38 : memref<10000x128xf32, #tpu.memory_space<hbm>>) dst(%arg10 : memref<80x128xf32, #tpu.memory_space<vmem>>)
    %run_scoped3A_39 = arith.constant 124 : i32
    "tpu.region"() ({
      %run_scoped3A_46 = tpu.sem_alloc : memref<!tpu.dma_semaphore, #tpu.memory_space<semaphore_mem>>
      %dma_start3A_47 = arith.constant 0 : i32
      %dma_start3A_48 = tpu.memref_slice %arg9[%run_scoped3A_39, %dma_start3A_47] : memref<125x80xi32, #tpu.memory_space<vmem>> -> memref<1x80xi32, #tpu.memory_space<vmem>>
      %dma_start3A_49 = tpu.memref_squeeze %dma_start3A_48 : memref<1x80xi32, #tpu.memory_space<vmem>> -> memref<80xi32, #tpu.memory_space<vmem>>
      %dma_start3A_50 = arith.constant 0 : i32
      %dma_start3A_51 = arith.constant 0 : i32
      %dma_start3A_52 = tpu.memref_slice %arg7[%dma_start3A_50, %dma_start3A_51] : memref<10000x128xf32, #tpu.memory_space<vmem_shared>> -> memref<10000x128xf32, #tpu.memory_space<vmem_shared>>
      tpu.enqueue_indirect_dma source(%arg10 : memref<80x128xf32, #tpu.memory_space<vmem>>) target(%dma_start3A_52 : memref<10000x128xf32, #tpu.memory_space<vmem_shared>>) offsets(%dma_start3A_49 : memref<80xi32, #tpu.memory_space<vmem>>) semaphore(%run_scoped3A_46 : memref<!tpu.dma_semaphore, #tpu.memory_space<semaphore_mem>>) {add = true}
      %dma_wait3A_53 = arith.constant 0 : i32
      %dma_wait3A_54 = tpu.memref_slice %arg9[%run_scoped3A_39, %dma_wait3A_53] : memref<125x80xi32, #tpu.memory_space<vmem>> -> memref<1x80xi32, #tpu.memory_space<vmem>>
      %dma_wait3A_55 = tpu.memref_squeeze %dma_wait3A_54 : memref<1x80xi32, #tpu.memory_space<vmem>> -> memref<80xi32, #tpu.memory_space<vmem>>
      %dma_wait3A_56 = arith.constant 0 : i32
      %dma_wait3A_57 = arith.constant 0 : i32
      %dma_wait3A_58 = tpu.memref_slice %arg7[%dma_wait3A_56, %dma_wait3A_57] : memref<10000x128xf32, #tpu.memory_space<vmem_shared>> -> memref<10000x128xf32, #tpu.memory_space<vmem_shared>>
      tpu.wait_indirect_dma semaphore(%run_scoped3A_46 : memref<!tpu.dma_semaphore, #tpu.memory_space<semaphore_mem>>) src(%arg10 : memref<80x128xf32, #tpu.memory_space<vmem>>) dst(%dma_wait3A_58 : memref<10000x128xf32, #tpu.memory_space<vmem_shared>>)
      tpu.yield
    }) : () -> ()
    %barrier3A_40 = arith.constant 0 : index
    tpu.barrier barrier_id(%barrier3A_40)
    %lt3A_41 = arith.constant 10 : i32
    %lt3A_42 = arith.cmpi slt, %arg1, %lt3A_41 : i32
    %convert_element_type3A_43 = arith.extui %lt3A_42 : i1 to i32
    %cond3A_44 = arith.constant 0 : i32
    %cond3A_45 = arith.cmpi ne, %convert_element_type3A_43, %cond3A_44 : i32
    scf.if %cond3A_45 {
      %mul3A_46 = arith.constant 1000 : i32
      %mul3A_47 = arith.muli %arg1, %mul3A_46 : i32
      %mul3A_48 = arith.constant 10000 : i32
      %mul3A_49 = arith.muli %arg0, %mul3A_48 : i32
      %add3A_50 = arith.addi %mul3A_49, %mul3A_47 : i32
      "tpu.region"() ({
        %run_scoped3A_51 = tpu.sem_alloc : memref<!tpu.dma_semaphore, #tpu.memory_space<semaphore_mem>>
        %dma_start3A_52 = arith.constant 0 : i32
        %dma_start3A_53 = tpu.memref_slice %arg6[%add3A_50, %dma_start3A_52] : memref<20000x128xf32, #tpu.memory_space<hbm>> -> memref<1000x128xf32, #tpu.memory_space<hbm>>
        %dma_start3A_54 = arith.constant 0 : i32
        %dma_start3A_55 = tpu.memref_slice %arg7[%mul3A_47, %dma_start3A_54] : memref<10000x128xf32, #tpu.memory_space<vmem_shared>> -> memref<1000x128xf32, #tpu.memory_space<vmem_shared>>
        tpu.enqueue_dma source(%dma_start3A_55 : memref<1000x128xf32, #tpu.memory_space<vmem_shared>>) target(%dma_start3A_53 : memref<1000x128xf32, #tpu.memory_space<hbm>>) target_semaphore(%run_scoped3A_51 : memref<!tpu.dma_semaphore, #tpu.memory_space<semaphore_mem>>)
        %dma_wait3A_56 = arith.constant 0 : i32
        %dma_wait3A_57 = tpu.memref_slice %arg6[%add3A_50, %dma_wait3A_56] : memref<20000x128xf32, #tpu.memory_space<hbm>> -> memref<1000x128xf32, #tpu.memory_space<hbm>>
        %dma_wait3A_58 = arith.constant 0 : i32
        %dma_wait3A_59 = tpu.memref_slice %arg7[%mul3A_47, %dma_wait3A_58] : memref<10000x128xf32, #tpu.memory_space<vmem_shared>> -> memref<1000x128xf32, #tpu.memory_space<vmem_shared>>
        tpu.wait_dma2 semaphore(%run_scoped3A_51 : memref<!tpu.dma_semaphore, #tpu.memory_space<semaphore_mem>>) src(%dma_wait3A_59 : memref<1000x128xf32, #tpu.memory_space<vmem_shared>>) dst(%dma_wait3A_57 : memref<1000x128xf32, #tpu.memory_space<hbm>>)
        tpu.yield
      }) : () -> ()
    } else {
    }
    return
  }
}

#map = affine_map<(d0, d1) -> (0, 0)>
#map1 = affine_map<(d0, d1) -> (0)>
#map2 = affine_map<(d0, d1) -> (0, 0, 0)>
module attributes {stable_mosaic.version = 14 : i64} {
  func.func @_sc_agg(%arg0: i32, %arg1: i32, %arg2: memref<10000x128xf32, #tpu.memory_space<hbm>>, %arg3: memref<320000xi32, #tpu.memory_space<hbm>>, %arg4: memref<32x125x80xi32, #tpu.memory_space<hbm>>, %arg5: memref<1000x128xf32, #tpu.memory_space<hbm>>, %arg6: memref<20000x128xf32, #tpu.memory_space<hbm>>, %arg7: memref<10000x128xf32, #tpu.memory_space<vmem_shared>>, %arg8: memref<10000xi32, #tpu.memory_space<vmem>>, %arg9: memref<125x80xi32, #tpu.memory_space<vmem>>, %arg10: memref<80x128xf32, #tpu.memory_space<vmem>>, %arg11: memref<80x128xf32, #tpu.memory_space<vmem>>, %arg12: memref<!tpu.dma_semaphore, #tpu.memory_space<semaphore_mem>>, %arg13: memref<!tpu.dma_semaphore, #tpu.memory_space<semaphore_mem>>) attributes {dimension_semantics = [#tpu.dimension_semantics<core_parallel>, #tpu.dimension_semantics<subcore_parallel>], iteration_bounds = array<i64: 2, 16>, scalar_prefetch = 0 : i64, scratch_operands = 7 : i64, tpu.core_type = #tpu.core_type<sc_vector_subcore>, window_params = [{transform_indices = #map}, {transform_indices = #map1}, {transform_indices = #map2}, {transform_indices = #map}, {transform_indices = #map}]} {
    %mul3A = arith.constant 2 : i32
    %mul3A_0 = arith.muli %arg1, %mul3A : i32
    %add3A = arith.addi %mul3A_0, %arg0 : i32
    %mul3A_1 = arith.constant 10000 : i32
    %mul3A_2 = arith.muli %add3A, %mul3A_1 : i32
    "tpu.region"() ({
      %run_scoped3A_46 = tpu.sem_alloc : memref<!tpu.dma_semaphore, #tpu.memory_space<semaphore_mem>>
      %dma_start3A_47 = tpu.memref_slice %arg3[%mul3A_2] : memref<320000xi32, #tpu.memory_space<hbm>> -> memref<10000xi32, #tpu.memory_space<hbm>>
      %dma_start3A_48 = tpu.memref_slice %arg3[%mul3A_2] : memref<320000xi32, #tpu.memory_space<hbm>> -> memref<10000xi32, #tpu.memory_space<hbm>>
      tpu.enqueue_dma source(%dma_start3A_48 : memref<10000xi32, #tpu.memory_space<hbm>>) target(%arg8 : memref<10000xi32, #tpu.memory_space<vmem>>) target_semaphore(%run_scoped3A_46 : memref<!tpu.dma_semaphore, #tpu.memory_space<semaphore_mem>>)
      %dma_wait3A_49 = tpu.memref_slice %arg3[%mul3A_2] : memref<320000xi32, #tpu.memory_space<hbm>> -> memref<10000xi32, #tpu.memory_space<hbm>>
      %dma_wait3A_50 = tpu.memref_slice %arg3[%mul3A_2] : memref<320000xi32, #tpu.memory_space<hbm>> -> memref<10000xi32, #tpu.memory_space<hbm>>
      tpu.wait_dma2 semaphore(%run_scoped3A_46 : memref<!tpu.dma_semaphore, #tpu.memory_space<semaphore_mem>>) src(%dma_wait3A_50 : memref<10000xi32, #tpu.memory_space<hbm>>) dst(%arg8 : memref<10000xi32, #tpu.memory_space<vmem>>)
      tpu.yield
    }) : () -> ()
    "tpu.region"() ({
      %run_scoped3A_46 = tpu.sem_alloc : memref<!tpu.dma_semaphore, #tpu.memory_space<semaphore_mem>>
      %dma_start3A_47 = arith.constant 0 : i32
      %dma_start3A_48 = arith.constant 0 : i32
      %dma_start3A_49 = tpu.memref_slice %arg4[%add3A, %dma_start3A_47, %dma_start3A_48] : memref<32x125x80xi32, #tpu.memory_space<hbm>> -> memref<1x125x80xi32, #tpu.memory_space<hbm>>
      %dma_start3A_50 = tpu.memref_squeeze %dma_start3A_49 : memref<1x125x80xi32, #tpu.memory_space<hbm>> -> memref<125x80xi32, #tpu.memory_space<hbm>>
      %dma_start3A_51 = arith.constant 0 : i32
      %dma_start3A_52 = arith.constant 0 : i32
      %dma_start3A_53 = tpu.memref_slice %arg4[%add3A, %dma_start3A_51, %dma_start3A_52] : memref<32x125x80xi32, #tpu.memory_space<hbm>> -> memref<1x125x80xi32, #tpu.memory_space<hbm>>
      %dma_start3A_54 = tpu.memref_squeeze %dma_start3A_53 : memref<1x125x80xi32, #tpu.memory_space<hbm>> -> memref<125x80xi32, #tpu.memory_space<hbm>>
      tpu.enqueue_dma source(%dma_start3A_54 : memref<125x80xi32, #tpu.memory_space<hbm>>) target(%arg9 : memref<125x80xi32, #tpu.memory_space<vmem>>) target_semaphore(%run_scoped3A_46 : memref<!tpu.dma_semaphore, #tpu.memory_space<semaphore_mem>>)
      %dma_wait3A_55 = arith.constant 0 : i32
      %dma_wait3A_56 = arith.constant 0 : i32
      %dma_wait3A_57 = tpu.memref_slice %arg4[%add3A, %dma_wait3A_55, %dma_wait3A_56] : memref<32x125x80xi32, #tpu.memory_space<hbm>> -> memref<1x125x80xi32, #tpu.memory_space<hbm>>
      %dma_wait3A_58 = tpu.memref_squeeze %dma_wait3A_57 : memref<1x125x80xi32, #tpu.memory_space<hbm>> -> memref<125x80xi32, #tpu.memory_space<hbm>>
      %dma_wait3A_59 = arith.constant 0 : i32
      %dma_wait3A_60 = arith.constant 0 : i32
      %dma_wait3A_61 = tpu.memref_slice %arg4[%add3A, %dma_wait3A_59, %dma_wait3A_60] : memref<32x125x80xi32, #tpu.memory_space<hbm>> -> memref<1x125x80xi32, #tpu.memory_space<hbm>>
      %dma_wait3A_62 = tpu.memref_squeeze %dma_wait3A_61 : memref<1x125x80xi32, #tpu.memory_space<hbm>> -> memref<125x80xi32, #tpu.memory_space<hbm>>
      tpu.wait_dma2 semaphore(%run_scoped3A_46 : memref<!tpu.dma_semaphore, #tpu.memory_space<semaphore_mem>>) src(%dma_wait3A_62 : memref<125x80xi32, #tpu.memory_space<hbm>>) dst(%arg9 : memref<125x80xi32, #tpu.memory_space<vmem>>)
      tpu.yield
    }) : () -> ()
    %dma_start3A = arith.constant 0 : i32
    %dma_start3A_3 = tpu.memref_slice %arg8[%dma_start3A] : memref<10000xi32, #tpu.memory_space<vmem>> -> memref<80xi32, #tpu.memory_space<vmem>>
    %dma_start3A_4 = arith.constant 0 : i32
    %dma_start3A_5 = arith.constant 0 : i32
    %dma_start3A_6 = tpu.memref_slice %arg2[%dma_start3A_4, %dma_start3A_5] : memref<10000x128xf32, #tpu.memory_space<hbm>> -> memref<10000x128xf32, #tpu.memory_space<hbm>>
    tpu.enqueue_indirect_dma source(%dma_start3A_6 : memref<10000x128xf32, #tpu.memory_space<hbm>>) target(%arg10 : memref<80x128xf32, #tpu.memory_space<vmem>>) offsets(%dma_start3A_3 : memref<80xi32, #tpu.memory_space<vmem>>) semaphore(%arg12 : memref<!tpu.dma_semaphore, #tpu.memory_space<semaphore_mem>>)
    %dma_start3A_7 = arith.constant 80 : i32
    %dma_start3A_8 = tpu.memref_slice %arg8[%dma_start3A_7] : memref<10000xi32, #tpu.memory_space<vmem>> -> memref<80xi32, #tpu.memory_space<vmem>>
    %dma_start3A_9 = arith.constant 0 : i32
    %dma_start3A_10 = arith.constant 0 : i32
    %dma_start3A_11 = tpu.memref_slice %arg2[%dma_start3A_9, %dma_start3A_10] : memref<10000x128xf32, #tpu.memory_space<hbm>> -> memref<10000x128xf32, #tpu.memory_space<hbm>>
    tpu.enqueue_indirect_dma source(%dma_start3A_11 : memref<10000x128xf32, #tpu.memory_space<hbm>>) target(%arg11 : memref<80x128xf32, #tpu.memory_space<vmem>>) offsets(%dma_start3A_8 : memref<80xi32, #tpu.memory_space<vmem>>) semaphore(%arg13 : memref<!tpu.dma_semaphore, #tpu.memory_space<semaphore_mem>>)
    %lt3A = arith.constant 10 : i32
    %lt3A_12 = arith.cmpi slt, %arg1, %lt3A : i32
    %convert_element_type3A = arith.extui %lt3A_12 : i1 to i32
    %cond3A = arith.constant 0 : i32
    %cond3A_13 = arith.cmpi ne, %convert_element_type3A, %cond3A : i32
    scf.if %cond3A_13 {
      %mul3A_46 = arith.constant 1000 : i32
      %mul3A_47 = arith.muli %arg1, %mul3A_46 : i32
      "tpu.region"() ({
        %run_scoped3A_48 = tpu.sem_alloc : memref<!tpu.dma_semaphore, #tpu.memory_space<semaphore_mem>>
        %dma_start3A_49 = arith.constant 0 : i32
        %dma_start3A_50 = tpu.memref_slice %arg7[%mul3A_47, %dma_start3A_49] : memref<10000x128xf32, #tpu.memory_space<vmem_shared>> -> memref<1000x128xf32, #tpu.memory_space<vmem_shared>>
        tpu.enqueue_dma source(%arg5 : memref<1000x128xf32, #tpu.memory_space<hbm>>) target(%dma_start3A_50 : memref<1000x128xf32, #tpu.memory_space<vmem_shared>>) target_semaphore(%run_scoped3A_48 : memref<!tpu.dma_semaphore, #tpu.memory_space<semaphore_mem>>)
        %dma_wait3A_51 = arith.constant 0 : i32
        %dma_wait3A_52 = tpu.memref_slice %arg7[%mul3A_47, %dma_wait3A_51] : memref<10000x128xf32, #tpu.memory_space<vmem_shared>> -> memref<1000x128xf32, #tpu.memory_space<vmem_shared>>
        tpu.wait_dma2 semaphore(%run_scoped3A_48 : memref<!tpu.dma_semaphore, #tpu.memory_space<semaphore_mem>>) src(%arg5 : memref<1000x128xf32, #tpu.memory_space<hbm>>) dst(%dma_wait3A_52 : memref<1000x128xf32, #tpu.memory_space<vmem_shared>>)
        tpu.yield
      }) : () -> ()
    } else {
    }
    %barrier3A = arith.constant 0 : index
    tpu.barrier barrier_id(%barrier3A)
    %scan3A = arith.constant 0 : i32
    %scan3A_14 = arith.constant 0 : i32
    %scan3A_15 = arith.constant 61 : i32
    %scan3A_16 = arith.addi %scan3A_14, %scan3A_15 : i32
    %scan3A_17 = arith.constant 1 : i32
    scf.for %scan3A_46 = %scan3A_14 to %scan3A_16 step %scan3A_17  : i32 {
      %mul3A_47 = arith.constant 2 : i32
      %mul3A_48 = arith.muli %mul3A_47, %scan3A_46 : i32
      %dma_wait3A_49 = arith.constant 0 : i32
      %dma_wait3A_50 = tpu.memref_slice %arg8[%dma_wait3A_49] : memref<10000xi32, #tpu.memory_space<vmem>> -> memref<80xi32, #tpu.memory_space<vmem>>
      %dma_wait3A_51 = arith.constant 0 : i32
      %dma_wait3A_52 = arith.constant 0 : i32
      %dma_wait3A_53 = tpu.memref_slice %arg2[%dma_wait3A_51, %dma_wait3A_52] : memref<10000x128xf32, #tpu.memory_space<hbm>> -> memref<10000x128xf32, #tpu.memory_space<hbm>>
      tpu.wait_indirect_dma semaphore(%arg12 : memref<!tpu.dma_semaphore, #tpu.memory_space<semaphore_mem>>) src(%dma_wait3A_53 : memref<10000x128xf32, #tpu.memory_space<hbm>>) dst(%arg10 : memref<80x128xf32, #tpu.memory_space<vmem>>)
      "tpu.region"() ({
        %run_scoped3A_77 = tpu.sem_alloc : memref<!tpu.dma_semaphore, #tpu.memory_space<semaphore_mem>>
        %dma_start3A_78 = arith.constant 0 : i32
        %dma_start3A_79 = tpu.memref_slice %arg9[%mul3A_48, %dma_start3A_78] : memref<125x80xi32, #tpu.memory_space<vmem>> -> memref<1x80xi32, #tpu.memory_space<vmem>>
        %dma_start3A_80 = tpu.memref_squeeze %dma_start3A_79 : memref<1x80xi32, #tpu.memory_space<vmem>> -> memref<80xi32, #tpu.memory_space<vmem>>
        %dma_start3A_81 = arith.constant 0 : i32
        %dma_start3A_82 = arith.constant 0 : i32
        %dma_start3A_83 = tpu.memref_slice %arg7[%dma_start3A_81, %dma_start3A_82] : memref<10000x128xf32, #tpu.memory_space<vmem_shared>> -> memref<10000x128xf32, #tpu.memory_space<vmem_shared>>
        tpu.enqueue_indirect_dma source(%arg10 : memref<80x128xf32, #tpu.memory_space<vmem>>) target(%dma_start3A_83 : memref<10000x128xf32, #tpu.memory_space<vmem_shared>>) offsets(%dma_start3A_80 : memref<80xi32, #tpu.memory_space<vmem>>) semaphore(%run_scoped3A_77 : memref<!tpu.dma_semaphore, #tpu.memory_space<semaphore_mem>>) {add = true}
        %dma_wait3A_84 = arith.constant 0 : i32
        %dma_wait3A_85 = tpu.memref_slice %arg9[%mul3A_48, %dma_wait3A_84] : memref<125x80xi32, #tpu.memory_space<vmem>> -> memref<1x80xi32, #tpu.memory_space<vmem>>
        %dma_wait3A_86 = tpu.memref_squeeze %dma_wait3A_85 : memref<1x80xi32, #tpu.memory_space<vmem>> -> memref<80xi32, #tpu.memory_space<vmem>>
        %dma_wait3A_87 = arith.constant 0 : i32
        %dma_wait3A_88 = arith.constant 0 : i32
        %dma_wait3A_89 = tpu.memref_slice %arg7[%dma_wait3A_87, %dma_wait3A_88] : memref<10000x128xf32, #tpu.memory_space<vmem_shared>> -> memref<10000x128xf32, #tpu.memory_space<vmem_shared>>
        tpu.wait_indirect_dma semaphore(%run_scoped3A_77 : memref<!tpu.dma_semaphore, #tpu.memory_space<semaphore_mem>>) src(%arg10 : memref<80x128xf32, #tpu.memory_space<vmem>>) dst(%dma_wait3A_89 : memref<10000x128xf32, #tpu.memory_space<vmem_shared>>)
        tpu.yield
      }) : () -> ()
      %add3A_54 = arith.constant 2 : i32
      %add3A_55 = arith.addi %mul3A_48, %add3A_54 : i32
      %mul3A_56 = arith.constant 80 : i32
      %mul3A_57 = arith.muli %add3A_55, %mul3A_56 : i32
      %dma_start3A_58 = tpu.memref_slice %arg8[%mul3A_57] : memref<10000xi32, #tpu.memory_space<vmem>> -> memref<80xi32, #tpu.memory_space<vmem>>
      %dma_start3A_59 = arith.constant 0 : i32
      %dma_start3A_60 = arith.constant 0 : i32
      %dma_start3A_61 = tpu.memref_slice %arg2[%dma_start3A_59, %dma_start3A_60] : memref<10000x128xf32, #tpu.memory_space<hbm>> -> memref<10000x128xf32, #tpu.memory_space<hbm>>
      tpu.enqueue_indirect_dma source(%dma_start3A_61 : memref<10000x128xf32, #tpu.memory_space<hbm>>) target(%arg10 : memref<80x128xf32, #tpu.memory_space<vmem>>) offsets(%dma_start3A_58 : memref<80xi32, #tpu.memory_space<vmem>>) semaphore(%arg12 : memref<!tpu.dma_semaphore, #tpu.memory_space<semaphore_mem>>)
      %add3A_62 = arith.constant 1 : i32
      %add3A_63 = arith.addi %mul3A_48, %add3A_62 : i32
      %dma_wait3A_64 = arith.constant 0 : i32
      %dma_wait3A_65 = tpu.memref_slice %arg8[%dma_wait3A_64] : memref<10000xi32, #tpu.memory_space<vmem>> -> memref<80xi32, #tpu.memory_space<vmem>>
      %dma_wait3A_66 = arith.constant 0 : i32
      %dma_wait3A_67 = arith.constant 0 : i32
      %dma_wait3A_68 = tpu.memref_slice %arg2[%dma_wait3A_66, %dma_wait3A_67] : memref<10000x128xf32, #tpu.memory_space<hbm>> -> memref<10000x128xf32, #tpu.memory_space<hbm>>
      tpu.wait_indirect_dma semaphore(%arg13 : memref<!tpu.dma_semaphore, #tpu.memory_space<semaphore_mem>>) src(%dma_wait3A_68 : memref<10000x128xf32, #tpu.memory_space<hbm>>) dst(%arg11 : memref<80x128xf32, #tpu.memory_space<vmem>>)
      "tpu.region"() ({
        %run_scoped3A_77 = tpu.sem_alloc : memref<!tpu.dma_semaphore, #tpu.memory_space<semaphore_mem>>
        %dma_start3A_78 = arith.constant 0 : i32
        %dma_start3A_79 = tpu.memref_slice %arg9[%add3A_63, %dma_start3A_78] : memref<125x80xi32, #tpu.memory_space<vmem>> -> memref<1x80xi32, #tpu.memory_space<vmem>>
        %dma_start3A_80 = tpu.memref_squeeze %dma_start3A_79 : memref<1x80xi32, #tpu.memory_space<vmem>> -> memref<80xi32, #tpu.memory_space<vmem>>
        %dma_start3A_81 = arith.constant 0 : i32
        %dma_start3A_82 = arith.constant 0 : i32
        %dma_start3A_83 = tpu.memref_slice %arg7[%dma_start3A_81, %dma_start3A_82] : memref<10000x128xf32, #tpu.memory_space<vmem_shared>> -> memref<10000x128xf32, #tpu.memory_space<vmem_shared>>
        tpu.enqueue_indirect_dma source(%arg11 : memref<80x128xf32, #tpu.memory_space<vmem>>) target(%dma_start3A_83 : memref<10000x128xf32, #tpu.memory_space<vmem_shared>>) offsets(%dma_start3A_80 : memref<80xi32, #tpu.memory_space<vmem>>) semaphore(%run_scoped3A_77 : memref<!tpu.dma_semaphore, #tpu.memory_space<semaphore_mem>>) {add = true}
        %dma_wait3A_84 = arith.constant 0 : i32
        %dma_wait3A_85 = tpu.memref_slice %arg9[%add3A_63, %dma_wait3A_84] : memref<125x80xi32, #tpu.memory_space<vmem>> -> memref<1x80xi32, #tpu.memory_space<vmem>>
        %dma_wait3A_86 = tpu.memref_squeeze %dma_wait3A_85 : memref<1x80xi32, #tpu.memory_space<vmem>> -> memref<80xi32, #tpu.memory_space<vmem>>
        %dma_wait3A_87 = arith.constant 0 : i32
        %dma_wait3A_88 = arith.constant 0 : i32
        %dma_wait3A_89 = tpu.memref_slice %arg7[%dma_wait3A_87, %dma_wait3A_88] : memref<10000x128xf32, #tpu.memory_space<vmem_shared>> -> memref<10000x128xf32, #tpu.memory_space<vmem_shared>>
        tpu.wait_indirect_dma semaphore(%run_scoped3A_77 : memref<!tpu.dma_semaphore, #tpu.memory_space<semaphore_mem>>) src(%arg11 : memref<80x128xf32, #tpu.memory_space<vmem>>) dst(%dma_wait3A_89 : memref<10000x128xf32, #tpu.memory_space<vmem_shared>>)
        tpu.yield
      }) : () -> ()
      %add3A_69 = arith.constant 3 : i32
      %add3A_70 = arith.addi %mul3A_48, %add3A_69 : i32
      %mul3A_71 = arith.constant 80 : i32
      %mul3A_72 = arith.muli %add3A_70, %mul3A_71 : i32
      %dma_start3A_73 = tpu.memref_slice %arg8[%mul3A_72] : memref<10000xi32, #tpu.memory_space<vmem>> -> memref<80xi32, #tpu.memory_space<vmem>>
      %dma_start3A_74 = arith.constant 0 : i32
      %dma_start3A_75 = arith.constant 0 : i32
      %dma_start3A_76 = tpu.memref_slice %arg2[%dma_start3A_74, %dma_start3A_75] : memref<10000x128xf32, #tpu.memory_space<hbm>> -> memref<10000x128xf32, #tpu.memory_space<hbm>>
      tpu.enqueue_indirect_dma source(%dma_start3A_76 : memref<10000x128xf32, #tpu.memory_space<hbm>>) target(%arg11 : memref<80x128xf32, #tpu.memory_space<vmem>>) offsets(%dma_start3A_73 : memref<80xi32, #tpu.memory_space<vmem>>) semaphore(%arg13 : memref<!tpu.dma_semaphore, #tpu.memory_space<semaphore_mem>>)
    }
    %scan3A_18 = arith.constant 61 : i32
    %dma_wait3A = arith.constant 0 : i32
    %dma_wait3A_19 = tpu.memref_slice %arg8[%dma_wait3A] : memref<10000xi32, #tpu.memory_space<vmem>> -> memref<80xi32, #tpu.memory_space<vmem>>
    %dma_wait3A_20 = arith.constant 0 : i32
    %dma_wait3A_21 = arith.constant 0 : i32
    %dma_wait3A_22 = tpu.memref_slice %arg2[%dma_wait3A_20, %dma_wait3A_21] : memref<10000x128xf32, #tpu.memory_space<hbm>> -> memref<10000x128xf32, #tpu.memory_space<hbm>>
    tpu.wait_indirect_dma semaphore(%arg12 : memref<!tpu.dma_semaphore, #tpu.memory_space<semaphore_mem>>) src(%dma_wait3A_22 : memref<10000x128xf32, #tpu.memory_space<hbm>>) dst(%arg10 : memref<80x128xf32, #tpu.memory_space<vmem>>)
    %run_scoped3A = arith.constant 122 : i32
    "tpu.region"() ({
      %run_scoped3A_46 = tpu.sem_alloc : memref<!tpu.dma_semaphore, #tpu.memory_space<semaphore_mem>>
      %dma_start3A_47 = arith.constant 0 : i32
      %dma_start3A_48 = tpu.memref_slice %arg9[%run_scoped3A, %dma_start3A_47] : memref<125x80xi32, #tpu.memory_space<vmem>> -> memref<1x80xi32, #tpu.memory_space<vmem>>
      %dma_start3A_49 = tpu.memref_squeeze %dma_start3A_48 : memref<1x80xi32, #tpu.memory_space<vmem>> -> memref<80xi32, #tpu.memory_space<vmem>>
      %dma_start3A_50 = arith.constant 0 : i32
      %dma_start3A_51 = arith.constant 0 : i32
      %dma_start3A_52 = tpu.memref_slice %arg7[%dma_start3A_50, %dma_start3A_51] : memref<10000x128xf32, #tpu.memory_space<vmem_shared>> -> memref<10000x128xf32, #tpu.memory_space<vmem_shared>>
      tpu.enqueue_indirect_dma source(%arg10 : memref<80x128xf32, #tpu.memory_space<vmem>>) target(%dma_start3A_52 : memref<10000x128xf32, #tpu.memory_space<vmem_shared>>) offsets(%dma_start3A_49 : memref<80xi32, #tpu.memory_space<vmem>>) semaphore(%run_scoped3A_46 : memref<!tpu.dma_semaphore, #tpu.memory_space<semaphore_mem>>) {add = true}
      %dma_wait3A_53 = arith.constant 0 : i32
      %dma_wait3A_54 = tpu.memref_slice %arg9[%run_scoped3A, %dma_wait3A_53] : memref<125x80xi32, #tpu.memory_space<vmem>> -> memref<1x80xi32, #tpu.memory_space<vmem>>
      %dma_wait3A_55 = tpu.memref_squeeze %dma_wait3A_54 : memref<1x80xi32, #tpu.memory_space<vmem>> -> memref<80xi32, #tpu.memory_space<vmem>>
      %dma_wait3A_56 = arith.constant 0 : i32
      %dma_wait3A_57 = arith.constant 0 : i32
      %dma_wait3A_58 = tpu.memref_slice %arg7[%dma_wait3A_56, %dma_wait3A_57] : memref<10000x128xf32, #tpu.memory_space<vmem_shared>> -> memref<10000x128xf32, #tpu.memory_space<vmem_shared>>
      tpu.wait_indirect_dma semaphore(%run_scoped3A_46 : memref<!tpu.dma_semaphore, #tpu.memory_space<semaphore_mem>>) src(%arg10 : memref<80x128xf32, #tpu.memory_space<vmem>>) dst(%dma_wait3A_58 : memref<10000x128xf32, #tpu.memory_space<vmem_shared>>)
      tpu.yield
    }) : () -> ()
    %dma_start3A_23 = arith.constant 9920 : i32
    %dma_start3A_24 = tpu.memref_slice %arg8[%dma_start3A_23] : memref<10000xi32, #tpu.memory_space<vmem>> -> memref<80xi32, #tpu.memory_space<vmem>>
    %dma_start3A_25 = arith.constant 0 : i32
    %dma_start3A_26 = arith.constant 0 : i32
    %dma_start3A_27 = tpu.memref_slice %arg2[%dma_start3A_25, %dma_start3A_26] : memref<10000x128xf32, #tpu.memory_space<hbm>> -> memref<10000x128xf32, #tpu.memory_space<hbm>>
    tpu.enqueue_indirect_dma source(%dma_start3A_27 : memref<10000x128xf32, #tpu.memory_space<hbm>>) target(%arg10 : memref<80x128xf32, #tpu.memory_space<vmem>>) offsets(%dma_start3A_24 : memref<80xi32, #tpu.memory_space<vmem>>) semaphore(%arg12 : memref<!tpu.dma_semaphore, #tpu.memory_space<semaphore_mem>>)
    %dma_wait3A_28 = arith.constant 0 : i32
    %dma_wait3A_29 = tpu.memref_slice %arg8[%dma_wait3A_28] : memref<10000xi32, #tpu.memory_space<vmem>> -> memref<80xi32, #tpu.memory_space<vmem>>
    %dma_wait3A_30 = arith.constant 0 : i32
    %dma_wait3A_31 = arith.constant 0 : i32
    %dma_wait3A_32 = tpu.memref_slice %arg2[%dma_wait3A_30, %dma_wait3A_31] : memref<10000x128xf32, #tpu.memory_space<hbm>> -> memref<10000x128xf32, #tpu.memory_space<hbm>>
    tpu.wait_indirect_dma semaphore(%arg13 : memref<!tpu.dma_semaphore, #tpu.memory_space<semaphore_mem>>) src(%dma_wait3A_32 : memref<10000x128xf32, #tpu.memory_space<hbm>>) dst(%arg11 : memref<80x128xf32, #tpu.memory_space<vmem>>)
    %run_scoped3A_33 = arith.constant 123 : i32
    "tpu.region"() ({
      %run_scoped3A_46 = tpu.sem_alloc : memref<!tpu.dma_semaphore, #tpu.memory_space<semaphore_mem>>
      %dma_start3A_47 = arith.constant 0 : i32
      %dma_start3A_48 = tpu.memref_slice %arg9[%run_scoped3A_33, %dma_start3A_47] : memref<125x80xi32, #tpu.memory_space<vmem>> -> memref<1x80xi32, #tpu.memory_space<vmem>>
      %dma_start3A_49 = tpu.memref_squeeze %dma_start3A_48 : memref<1x80xi32, #tpu.memory_space<vmem>> -> memref<80xi32, #tpu.memory_space<vmem>>
      %dma_start3A_50 = arith.constant 0 : i32
      %dma_start3A_51 = arith.constant 0 : i32
      %dma_start3A_52 = tpu.memref_slice %arg7[%dma_start3A_50, %dma_start3A_51] : memref<10000x128xf32, #tpu.memory_space<vmem_shared>> -> memref<10000x128xf32, #tpu.memory_space<vmem_shared>>
      tpu.enqueue_indirect_dma source(%arg11 : memref<80x128xf32, #tpu.memory_space<vmem>>) target(%dma_start3A_52 : memref<10000x128xf32, #tpu.memory_space<vmem_shared>>) offsets(%dma_start3A_49 : memref<80xi32, #tpu.memory_space<vmem>>) semaphore(%run_scoped3A_46 : memref<!tpu.dma_semaphore, #tpu.memory_space<semaphore_mem>>) {add = true}
      %dma_wait3A_53 = arith.constant 0 : i32
      %dma_wait3A_54 = tpu.memref_slice %arg9[%run_scoped3A_33, %dma_wait3A_53] : memref<125x80xi32, #tpu.memory_space<vmem>> -> memref<1x80xi32, #tpu.memory_space<vmem>>
      %dma_wait3A_55 = tpu.memref_squeeze %dma_wait3A_54 : memref<1x80xi32, #tpu.memory_space<vmem>> -> memref<80xi32, #tpu.memory_space<vmem>>
      %dma_wait3A_56 = arith.constant 0 : i32
      %dma_wait3A_57 = arith.constant 0 : i32
      %dma_wait3A_58 = tpu.memref_slice %arg7[%dma_wait3A_56, %dma_wait3A_57] : memref<10000x128xf32, #tpu.memory_space<vmem_shared>> -> memref<10000x128xf32, #tpu.memory_space<vmem_shared>>
      tpu.wait_indirect_dma semaphore(%run_scoped3A_46 : memref<!tpu.dma_semaphore, #tpu.memory_space<semaphore_mem>>) src(%arg11 : memref<80x128xf32, #tpu.memory_space<vmem>>) dst(%dma_wait3A_58 : memref<10000x128xf32, #tpu.memory_space<vmem_shared>>)
      tpu.yield
    }) : () -> ()
    %dma_wait3A_34 = arith.constant 0 : i32
    %dma_wait3A_35 = tpu.memref_slice %arg8[%dma_wait3A_34] : memref<10000xi32, #tpu.memory_space<vmem>> -> memref<80xi32, #tpu.memory_space<vmem>>
    %dma_wait3A_36 = arith.constant 0 : i32
    %dma_wait3A_37 = arith.constant 0 : i32
    %dma_wait3A_38 = tpu.memref_slice %arg2[%dma_wait3A_36, %dma_wait3A_37] : memref<10000x128xf32, #tpu.memory_space<hbm>> -> memref<10000x128xf32, #tpu.memory_space<hbm>>
    tpu.wait_indirect_dma semaphore(%arg12 : memref<!tpu.dma_semaphore, #tpu.memory_space<semaphore_mem>>) src(%dma_wait3A_38 : memref<10000x128xf32, #tpu.memory_space<hbm>>) dst(%arg10 : memref<80x128xf32, #tpu.memory_space<vmem>>)
    %run_scoped3A_39 = arith.constant 124 : i32
    "tpu.region"() ({
      %run_scoped3A_46 = tpu.sem_alloc : memref<!tpu.dma_semaphore, #tpu.memory_space<semaphore_mem>>
      %dma_start3A_47 = arith.constant 0 : i32
      %dma_start3A_48 = tpu.memref_slice %arg9[%run_scoped3A_39, %dma_start3A_47] : memref<125x80xi32, #tpu.memory_space<vmem>> -> memref<1x80xi32, #tpu.memory_space<vmem>>
      %dma_start3A_49 = tpu.memref_squeeze %dma_start3A_48 : memref<1x80xi32, #tpu.memory_space<vmem>> -> memref<80xi32, #tpu.memory_space<vmem>>
      %dma_start3A_50 = arith.constant 0 : i32
      %dma_start3A_51 = arith.constant 0 : i32
      %dma_start3A_52 = tpu.memref_slice %arg7[%dma_start3A_50, %dma_start3A_51] : memref<10000x128xf32, #tpu.memory_space<vmem_shared>> -> memref<10000x128xf32, #tpu.memory_space<vmem_shared>>
      tpu.enqueue_indirect_dma source(%arg10 : memref<80x128xf32, #tpu.memory_space<vmem>>) target(%dma_start3A_52 : memref<10000x128xf32, #tpu.memory_space<vmem_shared>>) offsets(%dma_start3A_49 : memref<80xi32, #tpu.memory_space<vmem>>) semaphore(%run_scoped3A_46 : memref<!tpu.dma_semaphore, #tpu.memory_space<semaphore_mem>>) {add = true}
      %dma_wait3A_53 = arith.constant 0 : i32
      %dma_wait3A_54 = tpu.memref_slice %arg9[%run_scoped3A_39, %dma_wait3A_53] : memref<125x80xi32, #tpu.memory_space<vmem>> -> memref<1x80xi32, #tpu.memory_space<vmem>>
      %dma_wait3A_55 = tpu.memref_squeeze %dma_wait3A_54 : memref<1x80xi32, #tpu.memory_space<vmem>> -> memref<80xi32, #tpu.memory_space<vmem>>
      %dma_wait3A_56 = arith.constant 0 : i32
      %dma_wait3A_57 = arith.constant 0 : i32
      %dma_wait3A_58 = tpu.memref_slice %arg7[%dma_wait3A_56, %dma_wait3A_57] : memref<10000x128xf32, #tpu.memory_space<vmem_shared>> -> memref<10000x128xf32, #tpu.memory_space<vmem_shared>>
      tpu.wait_indirect_dma semaphore(%run_scoped3A_46 : memref<!tpu.dma_semaphore, #tpu.memory_space<semaphore_mem>>) src(%arg10 : memref<80x128xf32, #tpu.memory_space<vmem>>) dst(%dma_wait3A_58 : memref<10000x128xf32, #tpu.memory_space<vmem_shared>>)
      tpu.yield
    }) : () -> ()
    %barrier3A_40 = arith.constant 0 : index
    tpu.barrier barrier_id(%barrier3A_40)
    %lt3A_41 = arith.constant 10 : i32
    %lt3A_42 = arith.cmpi slt, %arg1, %lt3A_41 : i32
    %convert_element_type3A_43 = arith.extui %lt3A_42 : i1 to i32
    %cond3A_44 = arith.constant 0 : i32
    %cond3A_45 = arith.cmpi ne, %convert_element_type3A_43, %cond3A_44 : i32
    scf.if %cond3A_45 {
      %mul3A_46 = arith.constant 1000 : i32
      %mul3A_47 = arith.muli %arg1, %mul3A_46 : i32
      %mul3A_48 = arith.constant 10000 : i32
      %mul3A_49 = arith.muli %arg0, %mul3A_48 : i32
      %add3A_50 = arith.addi %mul3A_49, %mul3A_47 : i32
      "tpu.region"() ({
        %run_scoped3A_51 = tpu.sem_alloc : memref<!tpu.dma_semaphore, #tpu.memory_space<semaphore_mem>>
        %dma_start3A_52 = arith.constant 0 : i32
        %dma_start3A_53 = tpu.memref_slice %arg6[%add3A_50, %dma_start3A_52] : memref<20000x128xf32, #tpu.memory_space<hbm>> -> memref<1000x128xf32, #tpu.memory_space<hbm>>
        %dma_start3A_54 = arith.constant 0 : i32
        %dma_start3A_55 = tpu.memref_slice %arg7[%mul3A_47, %dma_start3A_54] : memref<10000x128xf32, #tpu.memory_space<vmem_shared>> -> memref<1000x128xf32, #tpu.memory_space<vmem_shared>>
        tpu.enqueue_dma source(%dma_start3A_55 : memref<1000x128xf32, #tpu.memory_space<vmem_shared>>) target(%dma_start3A_53 : memref<1000x128xf32, #tpu.memory_space<hbm>>) target_semaphore(%run_scoped3A_51 : memref<!tpu.dma_semaphore, #tpu.memory_space<semaphore_mem>>)
        %dma_wait3A_56 = arith.constant 0 : i32
        %dma_wait3A_57 = tpu.memref_slice %arg6[%add3A_50, %dma_wait3A_56] : memref<20000x128xf32, #tpu.memory_space<hbm>> -> memref<1000x128xf32, #tpu.memory_space<hbm>>
        %dma_wait3A_58 = arith.constant 0 : i32
        %dma_wait3A_59 = tpu.memref_slice %arg7[%mul3A_47, %dma_wait3A_58] : memref<10000x128xf32, #tpu.memory_space<vmem_shared>> -> memref<1000x128xf32, #tpu.memory_space<vmem_shared>>
        tpu.wait_dma2 semaphore(%run_scoped3A_51 : memref<!tpu.dma_semaphore, #tpu.memory_space<semaphore_mem>>) src(%dma_wait3A_59 : memref<1000x128xf32, #tpu.memory_space<vmem_shared>>) dst(%dma_wait3A_57 : memref<1000x128xf32, #tpu.memory_space<hbm>>)
        tpu.yield
      }) : () -> ()
    } else {
    }
    return
  }
}

#map = affine_map<(d0, d1) -> (0, 0)>
#map1 = affine_map<(d0, d1) -> (0)>
#map2 = affine_map<(d0, d1) -> (0, 0, 0)>
module attributes {stable_mosaic.version = 14 : i64} {
  func.func @_sc_agg(%arg0: i32, %arg1: i32, %arg2: memref<10000x128xf32, #tpu.memory_space<hbm>>, %arg3: memref<320000xi32, #tpu.memory_space<hbm>>, %arg4: memref<32x125x80xi32, #tpu.memory_space<hbm>>, %arg5: memref<1000x128xf32, #tpu.memory_space<hbm>>, %arg6: memref<20000x128xf32, #tpu.memory_space<hbm>>, %arg7: memref<10000x128xf32, #tpu.memory_space<vmem_shared>>, %arg8: memref<10000xi32, #tpu.memory_space<vmem>>, %arg9: memref<125x80xi32, #tpu.memory_space<vmem>>, %arg10: memref<80x128xf32, #tpu.memory_space<vmem>>, %arg11: memref<80x128xf32, #tpu.memory_space<vmem>>, %arg12: memref<!tpu.dma_semaphore, #tpu.memory_space<semaphore_mem>>, %arg13: memref<!tpu.dma_semaphore, #tpu.memory_space<semaphore_mem>>) attributes {dimension_semantics = [#tpu.dimension_semantics<core_parallel>, #tpu.dimension_semantics<subcore_parallel>], iteration_bounds = array<i64: 2, 16>, scalar_prefetch = 0 : i64, scratch_operands = 7 : i64, tpu.core_type = #tpu.core_type<sc_vector_subcore>, window_params = [{transform_indices = #map}, {transform_indices = #map1}, {transform_indices = #map2}, {transform_indices = #map}, {transform_indices = #map}]} {
    %mul3A = arith.constant 2 : i32
    %mul3A_0 = arith.muli %arg1, %mul3A : i32
    %add3A = arith.addi %mul3A_0, %arg0 : i32
    %mul3A_1 = arith.constant 10000 : i32
    %mul3A_2 = arith.muli %add3A, %mul3A_1 : i32
    "tpu.region"() ({
      %run_scoped3A_46 = tpu.sem_alloc : memref<!tpu.dma_semaphore, #tpu.memory_space<semaphore_mem>>
      %dma_start3A_47 = tpu.memref_slice %arg3[%mul3A_2] : memref<320000xi32, #tpu.memory_space<hbm>> -> memref<10000xi32, #tpu.memory_space<hbm>>
      %dma_start3A_48 = tpu.memref_slice %arg3[%mul3A_2] : memref<320000xi32, #tpu.memory_space<hbm>> -> memref<10000xi32, #tpu.memory_space<hbm>>
      tpu.enqueue_dma source(%dma_start3A_48 : memref<10000xi32, #tpu.memory_space<hbm>>) target(%arg8 : memref<10000xi32, #tpu.memory_space<vmem>>) target_semaphore(%run_scoped3A_46 : memref<!tpu.dma_semaphore, #tpu.memory_space<semaphore_mem>>)
      %dma_wait3A_49 = tpu.memref_slice %arg3[%mul3A_2] : memref<320000xi32, #tpu.memory_space<hbm>> -> memref<10000xi32, #tpu.memory_space<hbm>>
      %dma_wait3A_50 = tpu.memref_slice %arg3[%mul3A_2] : memref<320000xi32, #tpu.memory_space<hbm>> -> memref<10000xi32, #tpu.memory_space<hbm>>
      tpu.wait_dma2 semaphore(%run_scoped3A_46 : memref<!tpu.dma_semaphore, #tpu.memory_space<semaphore_mem>>) src(%dma_wait3A_50 : memref<10000xi32, #tpu.memory_space<hbm>>) dst(%arg8 : memref<10000xi32, #tpu.memory_space<vmem>>)
      tpu.yield
    }) : () -> ()
    "tpu.region"() ({
      %run_scoped3A_46 = tpu.sem_alloc : memref<!tpu.dma_semaphore, #tpu.memory_space<semaphore_mem>>
      %dma_start3A_47 = arith.constant 0 : i32
      %dma_start3A_48 = arith.constant 0 : i32
      %dma_start3A_49 = tpu.memref_slice %arg4[%add3A, %dma_start3A_47, %dma_start3A_48] : memref<32x125x80xi32, #tpu.memory_space<hbm>> -> memref<1x125x80xi32, #tpu.memory_space<hbm>>
      %dma_start3A_50 = tpu.memref_squeeze %dma_start3A_49 : memref<1x125x80xi32, #tpu.memory_space<hbm>> -> memref<125x80xi32, #tpu.memory_space<hbm>>
      %dma_start3A_51 = arith.constant 0 : i32
      %dma_start3A_52 = arith.constant 0 : i32
      %dma_start3A_53 = tpu.memref_slice %arg4[%add3A, %dma_start3A_51, %dma_start3A_52] : memref<32x125x80xi32, #tpu.memory_space<hbm>> -> memref<1x125x80xi32, #tpu.memory_space<hbm>>
      %dma_start3A_54 = tpu.memref_squeeze %dma_start3A_53 : memref<1x125x80xi32, #tpu.memory_space<hbm>> -> memref<125x80xi32, #tpu.memory_space<hbm>>
      tpu.enqueue_dma source(%dma_start3A_54 : memref<125x80xi32, #tpu.memory_space<hbm>>) target(%arg9 : memref<125x80xi32, #tpu.memory_space<vmem>>) target_semaphore(%run_scoped3A_46 : memref<!tpu.dma_semaphore, #tpu.memory_space<semaphore_mem>>)
      %dma_wait3A_55 = arith.constant 0 : i32
      %dma_wait3A_56 = arith.constant 0 : i32
      %dma_wait3A_57 = tpu.memref_slice %arg4[%add3A, %dma_wait3A_55, %dma_wait3A_56] : memref<32x125x80xi32, #tpu.memory_space<hbm>> -> memref<1x125x80xi32, #tpu.memory_space<hbm>>
      %dma_wait3A_58 = tpu.memref_squeeze %dma_wait3A_57 : memref<1x125x80xi32, #tpu.memory_space<hbm>> -> memref<125x80xi32, #tpu.memory_space<hbm>>
      %dma_wait3A_59 = arith.constant 0 : i32
      %dma_wait3A_60 = arith.constant 0 : i32
      %dma_wait3A_61 = tpu.memref_slice %arg4[%add3A, %dma_wait3A_59, %dma_wait3A_60] : memref<32x125x80xi32, #tpu.memory_space<hbm>> -> memref<1x125x80xi32, #tpu.memory_space<hbm>>
      %dma_wait3A_62 = tpu.memref_squeeze %dma_wait3A_61 : memref<1x125x80xi32, #tpu.memory_space<hbm>> -> memref<125x80xi32, #tpu.memory_space<hbm>>
      tpu.wait_dma2 semaphore(%run_scoped3A_46 : memref<!tpu.dma_semaphore, #tpu.memory_space<semaphore_mem>>) src(%dma_wait3A_62 : memref<125x80xi32, #tpu.memory_space<hbm>>) dst(%arg9 : memref<125x80xi32, #tpu.memory_space<vmem>>)
      tpu.yield
    }) : () -> ()
    %dma_start3A = arith.constant 0 : i32
    %dma_start3A_3 = tpu.memref_slice %arg8[%dma_start3A] : memref<10000xi32, #tpu.memory_space<vmem>> -> memref<80xi32, #tpu.memory_space<vmem>>
    %dma_start3A_4 = arith.constant 0 : i32
    %dma_start3A_5 = arith.constant 0 : i32
    %dma_start3A_6 = tpu.memref_slice %arg2[%dma_start3A_4, %dma_start3A_5] : memref<10000x128xf32, #tpu.memory_space<hbm>> -> memref<10000x128xf32, #tpu.memory_space<hbm>>
    tpu.enqueue_indirect_dma source(%dma_start3A_6 : memref<10000x128xf32, #tpu.memory_space<hbm>>) target(%arg10 : memref<80x128xf32, #tpu.memory_space<vmem>>) offsets(%dma_start3A_3 : memref<80xi32, #tpu.memory_space<vmem>>) semaphore(%arg12 : memref<!tpu.dma_semaphore, #tpu.memory_space<semaphore_mem>>)
    %dma_start3A_7 = arith.constant 80 : i32
    %dma_start3A_8 = tpu.memref_slice %arg8[%dma_start3A_7] : memref<10000xi32, #tpu.memory_space<vmem>> -> memref<80xi32, #tpu.memory_space<vmem>>
    %dma_start3A_9 = arith.constant 0 : i32
    %dma_start3A_10 = arith.constant 0 : i32
    %dma_start3A_11 = tpu.memref_slice %arg2[%dma_start3A_9, %dma_start3A_10] : memref<10000x128xf32, #tpu.memory_space<hbm>> -> memref<10000x128xf32, #tpu.memory_space<hbm>>
    tpu.enqueue_indirect_dma source(%dma_start3A_11 : memref<10000x128xf32, #tpu.memory_space<hbm>>) target(%arg11 : memref<80x128xf32, #tpu.memory_space<vmem>>) offsets(%dma_start3A_8 : memref<80xi32, #tpu.memory_space<vmem>>) semaphore(%arg13 : memref<!tpu.dma_semaphore, #tpu.memory_space<semaphore_mem>>)
    %lt3A = arith.constant 10 : i32
    %lt3A_12 = arith.cmpi slt, %arg1, %lt3A : i32
    %convert_element_type3A = arith.extui %lt3A_12 : i1 to i32
    %cond3A = arith.constant 0 : i32
    %cond3A_13 = arith.cmpi ne, %convert_element_type3A, %cond3A : i32
    scf.if %cond3A_13 {
      %mul3A_46 = arith.constant 1000 : i32
      %mul3A_47 = arith.muli %arg1, %mul3A_46 : i32
      "tpu.region"() ({
        %run_scoped3A_48 = tpu.sem_alloc : memref<!tpu.dma_semaphore, #tpu.memory_space<semaphore_mem>>
        %dma_start3A_49 = arith.constant 0 : i32
        %dma_start3A_50 = tpu.memref_slice %arg7[%mul3A_47, %dma_start3A_49] : memref<10000x128xf32, #tpu.memory_space<vmem_shared>> -> memref<1000x128xf32, #tpu.memory_space<vmem_shared>>
        tpu.enqueue_dma source(%arg5 : memref<1000x128xf32, #tpu.memory_space<hbm>>) target(%dma_start3A_50 : memref<1000x128xf32, #tpu.memory_space<vmem_shared>>) target_semaphore(%run_scoped3A_48 : memref<!tpu.dma_semaphore, #tpu.memory_space<semaphore_mem>>)
        %dma_wait3A_51 = arith.constant 0 : i32
        %dma_wait3A_52 = tpu.memref_slice %arg7[%mul3A_47, %dma_wait3A_51] : memref<10000x128xf32, #tpu.memory_space<vmem_shared>> -> memref<1000x128xf32, #tpu.memory_space<vmem_shared>>
        tpu.wait_dma2 semaphore(%run_scoped3A_48 : memref<!tpu.dma_semaphore, #tpu.memory_space<semaphore_mem>>) src(%arg5 : memref<1000x128xf32, #tpu.memory_space<hbm>>) dst(%dma_wait3A_52 : memref<1000x128xf32, #tpu.memory_space<vmem_shared>>)
        tpu.yield
      }) : () -> ()
    } else {
    }
    %barrier3A = arith.constant 0 : index
    tpu.barrier barrier_id(%barrier3A)
    %scan3A = arith.constant 0 : i32
    %scan3A_14 = arith.constant 0 : i32
    %scan3A_15 = arith.constant 61 : i32
    %scan3A_16 = arith.addi %scan3A_14, %scan3A_15 : i32
    %scan3A_17 = arith.constant 1 : i32
    scf.for %scan3A_46 = %scan3A_14 to %scan3A_16 step %scan3A_17  : i32 {
      %mul3A_47 = arith.constant 2 : i32
      %mul3A_48 = arith.muli %mul3A_47, %scan3A_46 : i32
      %dma_wait3A_49 = arith.constant 0 : i32
      %dma_wait3A_50 = tpu.memref_slice %arg8[%dma_wait3A_49] : memref<10000xi32, #tpu.memory_space<vmem>> -> memref<80xi32, #tpu.memory_space<vmem>>
      %dma_wait3A_51 = arith.constant 0 : i32
      %dma_wait3A_52 = arith.constant 0 : i32
      %dma_wait3A_53 = tpu.memref_slice %arg2[%dma_wait3A_51, %dma_wait3A_52] : memref<10000x128xf32, #tpu.memory_space<hbm>> -> memref<10000x128xf32, #tpu.memory_space<hbm>>
      tpu.wait_indirect_dma semaphore(%arg12 : memref<!tpu.dma_semaphore, #tpu.memory_space<semaphore_mem>>) src(%dma_wait3A_53 : memref<10000x128xf32, #tpu.memory_space<hbm>>) dst(%arg10 : memref<80x128xf32, #tpu.memory_space<vmem>>)
      "tpu.region"() ({
        %run_scoped3A_77 = tpu.sem_alloc : memref<!tpu.dma_semaphore, #tpu.memory_space<semaphore_mem>>
        %dma_start3A_78 = arith.constant 0 : i32
        %dma_start3A_79 = tpu.memref_slice %arg9[%mul3A_48, %dma_start3A_78] : memref<125x80xi32, #tpu.memory_space<vmem>> -> memref<1x80xi32, #tpu.memory_space<vmem>>
        %dma_start3A_80 = tpu.memref_squeeze %dma_start3A_79 : memref<1x80xi32, #tpu.memory_space<vmem>> -> memref<80xi32, #tpu.memory_space<vmem>>
        %dma_start3A_81 = arith.constant 0 : i32
        %dma_start3A_82 = arith.constant 0 : i32
        %dma_start3A_83 = tpu.memref_slice %arg7[%dma_start3A_81, %dma_start3A_82] : memref<10000x128xf32, #tpu.memory_space<vmem_shared>> -> memref<10000x128xf32, #tpu.memory_space<vmem_shared>>
        tpu.enqueue_indirect_dma source(%arg10 : memref<80x128xf32, #tpu.memory_space<vmem>>) target(%dma_start3A_83 : memref<10000x128xf32, #tpu.memory_space<vmem_shared>>) offsets(%dma_start3A_80 : memref<80xi32, #tpu.memory_space<vmem>>) semaphore(%run_scoped3A_77 : memref<!tpu.dma_semaphore, #tpu.memory_space<semaphore_mem>>) {add = true}
        %dma_wait3A_84 = arith.constant 0 : i32
        %dma_wait3A_85 = tpu.memref_slice %arg9[%mul3A_48, %dma_wait3A_84] : memref<125x80xi32, #tpu.memory_space<vmem>> -> memref<1x80xi32, #tpu.memory_space<vmem>>
        %dma_wait3A_86 = tpu.memref_squeeze %dma_wait3A_85 : memref<1x80xi32, #tpu.memory_space<vmem>> -> memref<80xi32, #tpu.memory_space<vmem>>
        %dma_wait3A_87 = arith.constant 0 : i32
        %dma_wait3A_88 = arith.constant 0 : i32
        %dma_wait3A_89 = tpu.memref_slice %arg7[%dma_wait3A_87, %dma_wait3A_88] : memref<10000x128xf32, #tpu.memory_space<vmem_shared>> -> memref<10000x128xf32, #tpu.memory_space<vmem_shared>>
        tpu.wait_indirect_dma semaphore(%run_scoped3A_77 : memref<!tpu.dma_semaphore, #tpu.memory_space<semaphore_mem>>) src(%arg10 : memref<80x128xf32, #tpu.memory_space<vmem>>) dst(%dma_wait3A_89 : memref<10000x128xf32, #tpu.memory_space<vmem_shared>>)
        tpu.yield
      }) : () -> ()
      %add3A_54 = arith.constant 2 : i32
      %add3A_55 = arith.addi %mul3A_48, %add3A_54 : i32
      %mul3A_56 = arith.constant 80 : i32
      %mul3A_57 = arith.muli %add3A_55, %mul3A_56 : i32
      %dma_start3A_58 = tpu.memref_slice %arg8[%mul3A_57] : memref<10000xi32, #tpu.memory_space<vmem>> -> memref<80xi32, #tpu.memory_space<vmem>>
      %dma_start3A_59 = arith.constant 0 : i32
      %dma_start3A_60 = arith.constant 0 : i32
      %dma_start3A_61 = tpu.memref_slice %arg2[%dma_start3A_59, %dma_start3A_60] : memref<10000x128xf32, #tpu.memory_space<hbm>> -> memref<10000x128xf32, #tpu.memory_space<hbm>>
      tpu.enqueue_indirect_dma source(%dma_start3A_61 : memref<10000x128xf32, #tpu.memory_space<hbm>>) target(%arg10 : memref<80x128xf32, #tpu.memory_space<vmem>>) offsets(%dma_start3A_58 : memref<80xi32, #tpu.memory_space<vmem>>) semaphore(%arg12 : memref<!tpu.dma_semaphore, #tpu.memory_space<semaphore_mem>>)
      %add3A_62 = arith.constant 1 : i32
      %add3A_63 = arith.addi %mul3A_48, %add3A_62 : i32
      %dma_wait3A_64 = arith.constant 0 : i32
      %dma_wait3A_65 = tpu.memref_slice %arg8[%dma_wait3A_64] : memref<10000xi32, #tpu.memory_space<vmem>> -> memref<80xi32, #tpu.memory_space<vmem>>
      %dma_wait3A_66 = arith.constant 0 : i32
      %dma_wait3A_67 = arith.constant 0 : i32
      %dma_wait3A_68 = tpu.memref_slice %arg2[%dma_wait3A_66, %dma_wait3A_67] : memref<10000x128xf32, #tpu.memory_space<hbm>> -> memref<10000x128xf32, #tpu.memory_space<hbm>>
      tpu.wait_indirect_dma semaphore(%arg13 : memref<!tpu.dma_semaphore, #tpu.memory_space<semaphore_mem>>) src(%dma_wait3A_68 : memref<10000x128xf32, #tpu.memory_space<hbm>>) dst(%arg11 : memref<80x128xf32, #tpu.memory_space<vmem>>)
      "tpu.region"() ({
        %run_scoped3A_77 = tpu.sem_alloc : memref<!tpu.dma_semaphore, #tpu.memory_space<semaphore_mem>>
        %dma_start3A_78 = arith.constant 0 : i32
        %dma_start3A_79 = tpu.memref_slice %arg9[%add3A_63, %dma_start3A_78] : memref<125x80xi32, #tpu.memory_space<vmem>> -> memref<1x80xi32, #tpu.memory_space<vmem>>
        %dma_start3A_80 = tpu.memref_squeeze %dma_start3A_79 : memref<1x80xi32, #tpu.memory_space<vmem>> -> memref<80xi32, #tpu.memory_space<vmem>>
        %dma_start3A_81 = arith.constant 0 : i32
        %dma_start3A_82 = arith.constant 0 : i32
        %dma_start3A_83 = tpu.memref_slice %arg7[%dma_start3A_81, %dma_start3A_82] : memref<10000x128xf32, #tpu.memory_space<vmem_shared>> -> memref<10000x128xf32, #tpu.memory_space<vmem_shared>>
        tpu.enqueue_indirect_dma source(%arg11 : memref<80x128xf32, #tpu.memory_space<vmem>>) target(%dma_start3A_83 : memref<10000x128xf32, #tpu.memory_space<vmem_shared>>) offsets(%dma_start3A_80 : memref<80xi32, #tpu.memory_space<vmem>>) semaphore(%run_scoped3A_77 : memref<!tpu.dma_semaphore, #tpu.memory_space<semaphore_mem>>) {add = true}
        %dma_wait3A_84 = arith.constant 0 : i32
        %dma_wait3A_85 = tpu.memref_slice %arg9[%add3A_63, %dma_wait3A_84] : memref<125x80xi32, #tpu.memory_space<vmem>> -> memref<1x80xi32, #tpu.memory_space<vmem>>
        %dma_wait3A_86 = tpu.memref_squeeze %dma_wait3A_85 : memref<1x80xi32, #tpu.memory_space<vmem>> -> memref<80xi32, #tpu.memory_space<vmem>>
        %dma_wait3A_87 = arith.constant 0 : i32
        %dma_wait3A_88 = arith.constant 0 : i32
        %dma_wait3A_89 = tpu.memref_slice %arg7[%dma_wait3A_87, %dma_wait3A_88] : memref<10000x128xf32, #tpu.memory_space<vmem_shared>> -> memref<10000x128xf32, #tpu.memory_space<vmem_shared>>
        tpu.wait_indirect_dma semaphore(%run_scoped3A_77 : memref<!tpu.dma_semaphore, #tpu.memory_space<semaphore_mem>>) src(%arg11 : memref<80x128xf32, #tpu.memory_space<vmem>>) dst(%dma_wait3A_89 : memref<10000x128xf32, #tpu.memory_space<vmem_shared>>)
        tpu.yield
      }) : () -> ()
      %add3A_69 = arith.constant 3 : i32
      %add3A_70 = arith.addi %mul3A_48, %add3A_69 : i32
      %mul3A_71 = arith.constant 80 : i32
      %mul3A_72 = arith.muli %add3A_70, %mul3A_71 : i32
      %dma_start3A_73 = tpu.memref_slice %arg8[%mul3A_72] : memref<10000xi32, #tpu.memory_space<vmem>> -> memref<80xi32, #tpu.memory_space<vmem>>
      %dma_start3A_74 = arith.constant 0 : i32
      %dma_start3A_75 = arith.constant 0 : i32
      %dma_start3A_76 = tpu.memref_slice %arg2[%dma_start3A_74, %dma_start3A_75] : memref<10000x128xf32, #tpu.memory_space<hbm>> -> memref<10000x128xf32, #tpu.memory_space<hbm>>
      tpu.enqueue_indirect_dma source(%dma_start3A_76 : memref<10000x128xf32, #tpu.memory_space<hbm>>) target(%arg11 : memref<80x128xf32, #tpu.memory_space<vmem>>) offsets(%dma_start3A_73 : memref<80xi32, #tpu.memory_space<vmem>>) semaphore(%arg13 : memref<!tpu.dma_semaphore, #tpu.memory_space<semaphore_mem>>)
    }
    %scan3A_18 = arith.constant 61 : i32
    %dma_wait3A = arith.constant 0 : i32
    %dma_wait3A_19 = tpu.memref_slice %arg8[%dma_wait3A] : memref<10000xi32, #tpu.memory_space<vmem>> -> memref<80xi32, #tpu.memory_space<vmem>>
    %dma_wait3A_20 = arith.constant 0 : i32
    %dma_wait3A_21 = arith.constant 0 : i32
    %dma_wait3A_22 = tpu.memref_slice %arg2[%dma_wait3A_20, %dma_wait3A_21] : memref<10000x128xf32, #tpu.memory_space<hbm>> -> memref<10000x128xf32, #tpu.memory_space<hbm>>
    tpu.wait_indirect_dma semaphore(%arg12 : memref<!tpu.dma_semaphore, #tpu.memory_space<semaphore_mem>>) src(%dma_wait3A_22 : memref<10000x128xf32, #tpu.memory_space<hbm>>) dst(%arg10 : memref<80x128xf32, #tpu.memory_space<vmem>>)
    %run_scoped3A = arith.constant 122 : i32
    "tpu.region"() ({
      %run_scoped3A_46 = tpu.sem_alloc : memref<!tpu.dma_semaphore, #tpu.memory_space<semaphore_mem>>
      %dma_start3A_47 = arith.constant 0 : i32
      %dma_start3A_48 = tpu.memref_slice %arg9[%run_scoped3A, %dma_start3A_47] : memref<125x80xi32, #tpu.memory_space<vmem>> -> memref<1x80xi32, #tpu.memory_space<vmem>>
      %dma_start3A_49 = tpu.memref_squeeze %dma_start3A_48 : memref<1x80xi32, #tpu.memory_space<vmem>> -> memref<80xi32, #tpu.memory_space<vmem>>
      %dma_start3A_50 = arith.constant 0 : i32
      %dma_start3A_51 = arith.constant 0 : i32
      %dma_start3A_52 = tpu.memref_slice %arg7[%dma_start3A_50, %dma_start3A_51] : memref<10000x128xf32, #tpu.memory_space<vmem_shared>> -> memref<10000x128xf32, #tpu.memory_space<vmem_shared>>
      tpu.enqueue_indirect_dma source(%arg10 : memref<80x128xf32, #tpu.memory_space<vmem>>) target(%dma_start3A_52 : memref<10000x128xf32, #tpu.memory_space<vmem_shared>>) offsets(%dma_start3A_49 : memref<80xi32, #tpu.memory_space<vmem>>) semaphore(%run_scoped3A_46 : memref<!tpu.dma_semaphore, #tpu.memory_space<semaphore_mem>>) {add = true}
      %dma_wait3A_53 = arith.constant 0 : i32
      %dma_wait3A_54 = tpu.memref_slice %arg9[%run_scoped3A, %dma_wait3A_53] : memref<125x80xi32, #tpu.memory_space<vmem>> -> memref<1x80xi32, #tpu.memory_space<vmem>>
      %dma_wait3A_55 = tpu.memref_squeeze %dma_wait3A_54 : memref<1x80xi32, #tpu.memory_space<vmem>> -> memref<80xi32, #tpu.memory_space<vmem>>
      %dma_wait3A_56 = arith.constant 0 : i32
      %dma_wait3A_57 = arith.constant 0 : i32
      %dma_wait3A_58 = tpu.memref_slice %arg7[%dma_wait3A_56, %dma_wait3A_57] : memref<10000x128xf32, #tpu.memory_space<vmem_shared>> -> memref<10000x128xf32, #tpu.memory_space<vmem_shared>>
      tpu.wait_indirect_dma semaphore(%run_scoped3A_46 : memref<!tpu.dma_semaphore, #tpu.memory_space<semaphore_mem>>) src(%arg10 : memref<80x128xf32, #tpu.memory_space<vmem>>) dst(%dma_wait3A_58 : memref<10000x128xf32, #tpu.memory_space<vmem_shared>>)
      tpu.yield
    }) : () -> ()
    %dma_start3A_23 = arith.constant 9920 : i32
    %dma_start3A_24 = tpu.memref_slice %arg8[%dma_start3A_23] : memref<10000xi32, #tpu.memory_space<vmem>> -> memref<80xi32, #tpu.memory_space<vmem>>
    %dma_start3A_25 = arith.constant 0 : i32
    %dma_start3A_26 = arith.constant 0 : i32
    %dma_start3A_27 = tpu.memref_slice %arg2[%dma_start3A_25, %dma_start3A_26] : memref<10000x128xf32, #tpu.memory_space<hbm>> -> memref<10000x128xf32, #tpu.memory_space<hbm>>
    tpu.enqueue_indirect_dma source(%dma_start3A_27 : memref<10000x128xf32, #tpu.memory_space<hbm>>) target(%arg10 : memref<80x128xf32, #tpu.memory_space<vmem>>) offsets(%dma_start3A_24 : memref<80xi32, #tpu.memory_space<vmem>>) semaphore(%arg12 : memref<!tpu.dma_semaphore, #tpu.memory_space<semaphore_mem>>)
    %dma_wait3A_28 = arith.constant 0 : i32
    %dma_wait3A_29 = tpu.memref_slice %arg8[%dma_wait3A_28] : memref<10000xi32, #tpu.memory_space<vmem>> -> memref<80xi32, #tpu.memory_space<vmem>>
    %dma_wait3A_30 = arith.constant 0 : i32
    %dma_wait3A_31 = arith.constant 0 : i32
    %dma_wait3A_32 = tpu.memref_slice %arg2[%dma_wait3A_30, %dma_wait3A_31] : memref<10000x128xf32, #tpu.memory_space<hbm>> -> memref<10000x128xf32, #tpu.memory_space<hbm>>
    tpu.wait_indirect_dma semaphore(%arg13 : memref<!tpu.dma_semaphore, #tpu.memory_space<semaphore_mem>>) src(%dma_wait3A_32 : memref<10000x128xf32, #tpu.memory_space<hbm>>) dst(%arg11 : memref<80x128xf32, #tpu.memory_space<vmem>>)
    %run_scoped3A_33 = arith.constant 123 : i32
    "tpu.region"() ({
      %run_scoped3A_46 = tpu.sem_alloc : memref<!tpu.dma_semaphore, #tpu.memory_space<semaphore_mem>>
      %dma_start3A_47 = arith.constant 0 : i32
      %dma_start3A_48 = tpu.memref_slice %arg9[%run_scoped3A_33, %dma_start3A_47] : memref<125x80xi32, #tpu.memory_space<vmem>> -> memref<1x80xi32, #tpu.memory_space<vmem>>
      %dma_start3A_49 = tpu.memref_squeeze %dma_start3A_48 : memref<1x80xi32, #tpu.memory_space<vmem>> -> memref<80xi32, #tpu.memory_space<vmem>>
      %dma_start3A_50 = arith.constant 0 : i32
      %dma_start3A_51 = arith.constant 0 : i32
      %dma_start3A_52 = tpu.memref_slice %arg7[%dma_start3A_50, %dma_start3A_51] : memref<10000x128xf32, #tpu.memory_space<vmem_shared>> -> memref<10000x128xf32, #tpu.memory_space<vmem_shared>>
      tpu.enqueue_indirect_dma source(%arg11 : memref<80x128xf32, #tpu.memory_space<vmem>>) target(%dma_start3A_52 : memref<10000x128xf32, #tpu.memory_space<vmem_shared>>) offsets(%dma_start3A_49 : memref<80xi32, #tpu.memory_space<vmem>>) semaphore(%run_scoped3A_46 : memref<!tpu.dma_semaphore, #tpu.memory_space<semaphore_mem>>) {add = true}
      %dma_wait3A_53 = arith.constant 0 : i32
      %dma_wait3A_54 = tpu.memref_slice %arg9[%run_scoped3A_33, %dma_wait3A_53] : memref<125x80xi32, #tpu.memory_space<vmem>> -> memref<1x80xi32, #tpu.memory_space<vmem>>
      %dma_wait3A_55 = tpu.memref_squeeze %dma_wait3A_54 : memref<1x80xi32, #tpu.memory_space<vmem>> -> memref<80xi32, #tpu.memory_space<vmem>>
      %dma_wait3A_56 = arith.constant 0 : i32
      %dma_wait3A_57 = arith.constant 0 : i32
      %dma_wait3A_58 = tpu.memref_slice %arg7[%dma_wait3A_56, %dma_wait3A_57] : memref<10000x128xf32, #tpu.memory_space<vmem_shared>> -> memref<10000x128xf32, #tpu.memory_space<vmem_shared>>
      tpu.wait_indirect_dma semaphore(%run_scoped3A_46 : memref<!tpu.dma_semaphore, #tpu.memory_space<semaphore_mem>>) src(%arg11 : memref<80x128xf32, #tpu.memory_space<vmem>>) dst(%dma_wait3A_58 : memref<10000x128xf32, #tpu.memory_space<vmem_shared>>)
      tpu.yield
    }) : () -> ()
    %dma_wait3A_34 = arith.constant 0 : i32
    %dma_wait3A_35 = tpu.memref_slice %arg8[%dma_wait3A_34] : memref<10000xi32, #tpu.memory_space<vmem>> -> memref<80xi32, #tpu.memory_space<vmem>>
    %dma_wait3A_36 = arith.constant 0 : i32
    %dma_wait3A_37 = arith.constant 0 : i32
    %dma_wait3A_38 = tpu.memref_slice %arg2[%dma_wait3A_36, %dma_wait3A_37] : memref<10000x128xf32, #tpu.memory_space<hbm>> -> memref<10000x128xf32, #tpu.memory_space<hbm>>
    tpu.wait_indirect_dma semaphore(%arg12 : memref<!tpu.dma_semaphore, #tpu.memory_space<semaphore_mem>>) src(%dma_wait3A_38 : memref<10000x128xf32, #tpu.memory_space<hbm>>) dst(%arg10 : memref<80x128xf32, #tpu.memory_space<vmem>>)
    %run_scoped3A_39 = arith.constant 124 : i32
    "tpu.region"() ({
      %run_scoped3A_46 = tpu.sem_alloc : memref<!tpu.dma_semaphore, #tpu.memory_space<semaphore_mem>>
      %dma_start3A_47 = arith.constant 0 : i32
      %dma_start3A_48 = tpu.memref_slice %arg9[%run_scoped3A_39, %dma_start3A_47] : memref<125x80xi32, #tpu.memory_space<vmem>> -> memref<1x80xi32, #tpu.memory_space<vmem>>
      %dma_start3A_49 = tpu.memref_squeeze %dma_start3A_48 : memref<1x80xi32, #tpu.memory_space<vmem>> -> memref<80xi32, #tpu.memory_space<vmem>>
      %dma_start3A_50 = arith.constant 0 : i32
      %dma_start3A_51 = arith.constant 0 : i32
      %dma_start3A_52 = tpu.memref_slice %arg7[%dma_start3A_50, %dma_start3A_51] : memref<10000x128xf32, #tpu.memory_space<vmem_shared>> -> memref<10000x128xf32, #tpu.memory_space<vmem_shared>>
      tpu.enqueue_indirect_dma source(%arg10 : memref<80x128xf32, #tpu.memory_space<vmem>>) target(%dma_start3A_52 : memref<10000x128xf32, #tpu.memory_space<vmem_shared>>) offsets(%dma_start3A_49 : memref<80xi32, #tpu.memory_space<vmem>>) semaphore(%run_scoped3A_46 : memref<!tpu.dma_semaphore, #tpu.memory_space<semaphore_mem>>) {add = true}
      %dma_wait3A_53 = arith.constant 0 : i32
      %dma_wait3A_54 = tpu.memref_slice %arg9[%run_scoped3A_39, %dma_wait3A_53] : memref<125x80xi32, #tpu.memory_space<vmem>> -> memref<1x80xi32, #tpu.memory_space<vmem>>
      %dma_wait3A_55 = tpu.memref_squeeze %dma_wait3A_54 : memref<1x80xi32, #tpu.memory_space<vmem>> -> memref<80xi32, #tpu.memory_space<vmem>>
      %dma_wait3A_56 = arith.constant 0 : i32
      %dma_wait3A_57 = arith.constant 0 : i32
      %dma_wait3A_58 = tpu.memref_slice %arg7[%dma_wait3A_56, %dma_wait3A_57] : memref<10000x128xf32, #tpu.memory_space<vmem_shared>> -> memref<10000x128xf32, #tpu.memory_space<vmem_shared>>
      tpu.wait_indirect_dma semaphore(%run_scoped3A_46 : memref<!tpu.dma_semaphore, #tpu.memory_space<semaphore_mem>>) src(%arg10 : memref<80x128xf32, #tpu.memory_space<vmem>>) dst(%dma_wait3A_58 : memref<10000x128xf32, #tpu.memory_space<vmem_shared>>)
      tpu.yield
    }) : () -> ()
    %barrier3A_40 = arith.constant 0 : index
    tpu.barrier barrier_id(%barrier3A_40)
    %lt3A_41 = arith.constant 10 : i32
    %lt3A_42 = arith.cmpi slt, %arg1, %lt3A_41 : i32
    %convert_element_type3A_43 = arith.extui %lt3A_42 : i1 to i32
    %cond3A_44 = arith.constant 0 : i32
    %cond3A_45 = arith.cmpi ne, %convert_element_type3A_43, %cond3A_44 : i32
    scf.if %cond3A_45 {
      %mul3A_46 = arith.constant 1000 : i32
      %mul3A_47 = arith.muli %arg1, %mul3A_46 : i32
      %mul3A_48 = arith.constant 10000 : i32
      %mul3A_49 = arith.muli %arg0, %mul3A_48 : i32
      %add3A_50 = arith.addi %mul3A_49, %mul3A_47 : i32
      "tpu.region"() ({
        %run_scoped3A_51 = tpu.sem_alloc : memref<!tpu.dma_semaphore, #tpu.memory_space<semaphore_mem>>
        %dma_start3A_52 = arith.constant 0 : i32
        %dma_start3A_53 = tpu.memref_slice %arg6[%add3A_50, %dma_start3A_52] : memref<20000x128xf32, #tpu.memory_space<hbm>> -> memref<1000x128xf32, #tpu.memory_space<hbm>>
        %dma_start3A_54 = arith.constant 0 : i32
        %dma_start3A_55 = tpu.memref_slice %arg7[%mul3A_47, %dma_start3A_54] : memref<10000x128xf32, #tpu.memory_space<vmem_shared>> -> memref<1000x128xf32, #tpu.memory_space<vmem_shared>>
        tpu.enqueue_dma source(%dma_start3A_55 : memref<1000x128xf32, #tpu.memory_space<vmem_shared>>) target(%dma_start3A_53 : memref<1000x128xf32, #tpu.memory_space<hbm>>) target_semaphore(%run_scoped3A_51 : memref<!tpu.dma_semaphore, #tpu.memory_space<semaphore_mem>>)
        %dma_wait3A_56 = arith.constant 0 : i32
        %dma_wait3A_57 = tpu.memref_slice %arg6[%add3A_50, %dma_wait3A_56] : memref<20000x128xf32, #tpu.memory_space<hbm>> -> memref<1000x128xf32, #tpu.memory_space<hbm>>
        %dma_wait3A_58 = arith.constant 0 : i32
        %dma_wait3A_59 = tpu.memref_slice %arg7[%mul3A_47, %dma_wait3A_58] : memref<10000x128xf32, #tpu.memory_space<vmem_shared>> -> memref<1000x128xf32, #tpu.memory_space<vmem_shared>>
        tpu.wait_dma2 semaphore(%run_scoped3A_51 : memref<!tpu.dma_semaphore, #tpu.memory_space<semaphore_mem>>) src(%dma_wait3A_59 : memref<1000x128xf32, #tpu.memory_space<vmem_shared>>) dst(%dma_wait3A_57 : memref<1000x128xf32, #tpu.memory_space<hbm>>)
        tpu.yield
      }) : () -> ()
    } else {
    }
    return
  }
}

module attributes {stable_mosaic.version = 14 : i64} {
  func.func @body(%arg0: i32, %arg1: memref<2x1000x128xf32, #tpu.memory_space<vmem>>, %arg2: memref<128x128xf32, #tpu.memory_space<vmem>>, %arg3: memref<1x128xf32, #tpu.memory_space<vmem>>, %arg4: memref<1000x128xf32, #tpu.memory_space<vmem>>) attributes {dimension_semantics = [#tpu.dimension_semantics<arbitrary>], iteration_bounds = array<i64: 10>, scalar_prefetch = 0 : i64, scratch_operands = 0 : i64, tpu.core_type = #tpu.core_type<tc>, window_params = [{transform_indices = @transform_0, window_bounds = array<i64: 2, 1000, 128>}, {pipeline_mode = #tpu.pipeline_mode<synchronous>, transform_indices = @transform_1, window_bounds = array<i64: 128, 128>}, {pipeline_mode = #tpu.pipeline_mode<synchronous>, transform_indices = @transform_2, window_bounds = array<i64: 1, 128>}, {transform_indices = @transform_3, window_bounds = array<i64: 1000, 128>}]} {
    %get3A = arith.constant 0 : index
    %get3A_0 = arith.constant 0 : index
    %get3A_1 = arith.constant 0 : index
    %get3A_2 = vector.load %arg1[%get3A, %get3A_0, %get3A_1] : memref<2x1000x128xf32, #tpu.memory_space<vmem>>, vector<1x1000x128xf32>
    %get3A_3 = vector.shape_cast %get3A_2 : vector<1x1000x128xf32> to vector<1000x128xf32>
    %get3A_4 = arith.constant 1 : index
    %get3A_5 = arith.constant 0 : index
    %get3A_6 = arith.constant 0 : index
    %get3A_7 = vector.load %arg1[%get3A_4, %get3A_5, %get3A_6] : memref<2x1000x128xf32, #tpu.memory_space<vmem>>, vector<1x1000x128xf32>
    %get3A_8 = vector.shape_cast %get3A_7 : vector<1x1000x128xf32> to vector<1000x128xf32>
    %add3A = arith.addf %get3A_3, %get3A_8 : vector<1000x128xf32>
    %get3A_9 = arith.constant 0 : index
    %get3A_10 = arith.constant 0 : index
    %get3A_11 = vector.load %arg2[%get3A_9, %get3A_10] : memref<128x128xf32, #tpu.memory_space<vmem>>, vector<128x128xf32>
    %dot_general3A = arith.constant dense<0.000000e+00> : vector<1000x128xf32>
    %dot_general3A_12 = tpu.matmul %add3A, %get3A_11, %dot_general3A {dimension_numbers = #tpu.dot_dimension_numbers<[1], [0], [0], [1], [0, 0, 1, 1], [], []>, transpose_lhs_hint = false} : vector<1000x128xf32>, vector<128x128xf32>, vector<1000x128xf32> -> vector<1000x128xf32>
    %get3A_13 = arith.constant 0 : index
    %get3A_14 = arith.constant 0 : index
    %get3A_15 = vector.load %arg3[%get3A_13, %get3A_14] : memref<1x128xf32, #tpu.memory_space<vmem>>, vector<1x128xf32>
    %add3A_16 = vector.broadcast %get3A_15 : vector<1x128xf32> to vector<1000x128xf32>
    %add3A_17 = arith.addf %dot_general3A_12, %add3A_16 : vector<1000x128xf32>
    %max3A = arith.constant 0.000000e+00 : f32
    %max3A_18 = vector.broadcast %max3A : f32 to vector<1000x128xf32>
    %max3A_19 = arith.maximumf %add3A_17, %max3A_18 : vector<1000x128xf32>
    %swap3A = arith.constant 0 : index
    %swap3A_20 = arith.constant 0 : index
    %swap3A_21 = vector.load %arg4[%swap3A, %swap3A_20] : memref<1000x128xf32, #tpu.memory_space<vmem>>, vector<1000x128xf32>
    tpu.vector_store %arg4[%swap3A, %swap3A_20], %max3A_19 {strides = array<i32>} : memref<1000x128xf32, #tpu.memory_space<vmem>>, vector<1000x128xf32>,
    return
  }
  func.func @transform_0(%arg0: i32) -> (i32, i32, i32) {
    %c0_i32 = arith.constant 0 : i32
    %c0_i32_0 = arith.constant 0 : i32
    %c0_i32_1 = arith.constant 0 : i32
    return %c0_i32, %arg0, %c0_i32_0 : i32, i32, i32
  }
  func.func @transform_1(%arg0: i32) -> (i32, i32) {
    %c0_i32 = arith.constant 0 : i32
    %c0_i32_0 = arith.constant 0 : i32
    %c0_i32_1 = arith.constant 0 : i32
    return %c0_i32, %c0_i32_0 : i32, i32
  }
  func.func @transform_2(%arg0: i32) -> (i32, i32) {
    %c0_i32 = arith.constant 0 : i32
    %c0_i32_0 = arith.constant 0 : i32
    %c0_i32_1 = arith.constant 0 : i32
    return %c0_i32, %c0_i32_0 : i32, i32
  }
  func.func @transform_3(%arg0: i32) -> (i32, i32) {
    %c0_i32 = arith.constant 0 : i32
    %c0_i32_0 = arith.constant 0 : i32
    return %arg0, %c0_i32 : i32, i32
  }
}

module attributes {stable_mosaic.version = 14 : i64} {
  func.func @body(%arg0: i32, %arg1: memref<2x1000x128xf32, #tpu.memory_space<vmem>>, %arg2: memref<128x1xf32, #tpu.memory_space<vmem>>, %arg3: memref<1xf32, #tpu.memory_space<smem>>, %arg4: memref<10xi32, #tpu.memory_space<smem>>, %arg5: memref<10xf32, #tpu.memory_space<smem>>) attributes {dimension_semantics = [#tpu.dimension_semantics<arbitrary>], iteration_bounds = array<i64: 10>, scalar_prefetch = 0 : i64, scratch_operands = 0 : i64, tpu.core_type = #tpu.core_type<tc>, window_params = [{transform_indices = @transform_0, window_bounds = array<i64: 2, 1000, 128>}, {pipeline_mode = #tpu.pipeline_mode<synchronous>, transform_indices = @transform_1, window_bounds = array<i64: 128, 1>}, {transform_indices = @transform_2, window_bounds = array<i64: 1>}, {transform_indices = @transform_3, window_bounds = array<i64: 10>}, {transform_indices = @transform_4, window_bounds = array<i64: 10>}]} {
    %get3A = arith.constant 0 : index
    %get3A_0 = arith.constant 0 : index
    %get3A_1 = arith.constant 0 : index
    %get3A_2 = vector.load %arg1[%get3A, %get3A_0, %get3A_1] : memref<2x1000x128xf32, #tpu.memory_space<vmem>>, vector<1x1000x128xf32>
    %get3A_3 = vector.shape_cast %get3A_2 : vector<1x1000x128xf32> to vector<1000x128xf32>
    %get3A_4 = arith.constant 1 : index
    %get3A_5 = arith.constant 0 : index
    %get3A_6 = arith.constant 0 : index
    %get3A_7 = vector.load %arg1[%get3A_4, %get3A_5, %get3A_6] : memref<2x1000x128xf32, #tpu.memory_space<vmem>>, vector<1x1000x128xf32>
    %get3A_8 = vector.shape_cast %get3A_7 : vector<1x1000x128xf32> to vector<1000x128xf32>
    %add3A = arith.addf %get3A_3, %get3A_8 : vector<1000x128xf32>
    %get3A_9 = arith.constant 0 : index
    %get3A_10 = arith.constant 0 : index
    %get3A_11 = vector.load %arg2[%get3A_9, %get3A_10] : memref<128x1xf32, #tpu.memory_space<vmem>>, vector<128x1xf32>
    %dot_general3A = arith.constant dense<0.000000e+00> : vector<1000x1xf32>
    %dot_general3A_12 = tpu.matmul %add3A, %get3A_11, %dot_general3A {dimension_numbers = #tpu.dot_dimension_numbers<[1], [0], [0], [1], [0, 0, 1, 1], [], []>, transpose_lhs_hint = false} : vector<1000x128xf32>, vector<128x1xf32>, vector<1000x1xf32> -> vector<1000x1xf32>
    %get3A_13 = arith.constant 0 : index
    %get3A_14 = memref.load %arg3[%get3A_13] : memref<1xf32, #tpu.memory_space<smem>>
    %add3A_15 = vector.broadcast %get3A_14 : f32 to vector<1000x1xf32>
    %add3A_16 = arith.addf %dot_general3A_12, %add3A_15 : vector<1000x1xf32>
    %logistic3A = arith.negf %add3A_16 : vector<1000x1xf32>
    %logistic3A_17 = math.exp %logistic3A : vector<1000x1xf32>
    %logistic3A_18 = arith.constant 1.000000e+00 : f32
    %logistic3A_19 = vector.broadcast %logistic3A_18 : f32 to vector<1000x1xf32>
    %logistic3A_20 = arith.addf %logistic3A_19, %logistic3A_17 : vector<1000x1xf32>
    %logistic3A_21 = arith.divf %logistic3A_19, %logistic3A_20 : vector<1000x1xf32>
    %get3A_22 = arith.index_cast %arg0 : i32 to index
    %get3A_23 = memref.load %arg4[%get3A_22] : memref<10xi32, #tpu.memory_space<smem>>
    %convert_element_type3A = arith.sitofp %get3A_23 : i32 to f32
    %reduce_sum3A = vector.shape_cast %logistic3A_21 : vector<1000x1xf32> to vector<1x1000x1xf32>
    %reduce_sum3A_24 = arith.constant dense<0.000000e+00> : vector<1xf32>
    %reduce_sum3A_25 = vector.multi_reduction <add>, %reduce_sum3A, %reduce_sum3A_24 [1, 2] : vector<1x1000x1xf32> to vector<1xf32>
    %reduce_sum3A_26 = vector.shape_cast %reduce_sum3A_25 : vector<1xf32> to vector<1x1x1xf32>
    %reduce_sum3A_27 = vector.extract %reduce_sum3A_26[0, 0, 0] : f32 from vector<1x1x1xf32>
    %div3A = arith.divf %reduce_sum3A_27, %convert_element_type3A : f32
    %swap3A = arith.index_cast %arg0 : i32 to index
    %swap3A_28 = memref.load %arg5[%swap3A] : memref<10xf32, #tpu.memory_space<smem>>
    memref.store %div3A, %arg5[%swap3A] : memref<10xf32, #tpu.memory_space<smem>>
    return
  }
  func.func @transform_0(%arg0: i32) -> (i32, i32, i32) {
    %c0_i32 = arith.constant 0 : i32
    %c0_i32_0 = arith.constant 0 : i32
    %c0_i32_1 = arith.constant 0 : i32
    return %c0_i32, %arg0, %c0_i32_0 : i32, i32, i32
  }
  func.func @transform_1(%arg0: i32) -> (i32, i32) {
    %c0_i32 = arith.constant 0 : i32
    %c0_i32_0 = arith.constant 0 : i32
    %c0_i32_1 = arith.constant 0 : i32
    return %c0_i32, %c0_i32_0 : i32, i32
  }
  func.func @transform_2(%arg0: i32) -> i32 {
    %c0_i32 = arith.constant 0 : i32
    %c0_i32_0 = arith.constant 0 : i32
    return %c0_i32 : i32
  }
  func.func @transform_3(%arg0: i32) -> i32 {
    %c0_i32 = arith.constant 0 : i32
    %c0_i32_0 = arith.constant 0 : i32
    return %c0_i32 : i32
  }
  func.func @transform_4(%arg0: i32) -> i32 {
    %c0_i32 = arith.constant 0 : i32
    %c0_i32_0 = arith.constant 0 : i32
    return %c0_i32 : i32
  }
}

</mosaic_0001>

<sc_bundles>
// kernel: kernel.11.cloned.1.call-start
scs
__scs_entry_jumppad:
0x0: {  	(pc) =	sbr.rel $0x88, $3  }
0x1: {  	(tag) =	ssettag $0x0;
	lr =	simm.s32 $0x1  }
0x2: {  	[smem:$0x3F98] =	sst lr;
	_ =	strace $0xD0000000  }
0x3: {  	_ = 	snop  }
0x4: {  	_ = 	snop  }
0x5: {  	_ = 	snop  }
0x6: {  	_ = 	snop  }
0x7: {  	_ = 	snop  }
__scs_overlays_trampoline_lowered:
0x8: {  	[smem:$0x3FA7] =	sst s0  }
0x9: {  	[smem:$0x3FA8] =	sst s1  }
0xa: {  	[smem:$0x3FA9] =	sst s2  }
0xb: {  	[smem:$0x3FAA] =	sst s3  }
0xc: {  	[smem:$0x3FAB] =	sst s4  }
0xd: {  	[smem:$0x3FAC] =	sst s5  }
0xe: {  	[smem:$0x3FAD] =	sst s6  }
0xf: {  	[smem:$0x3FAE] =	sst s7  }
0x10: {  	[smem:$0x3FAF] =	sst s8  }
0x11: {  	[smem:$0x3FB0] =	sst s9;
	s0 =	simm.s32 @!p0 $0x0  }
0x12: {  	s1 =	sld [smem:$0x3F96];
	s0 =	simm.s32 @p0 $0x1  }
0x13: {  	[smem:$0x3FB1] =	sst s0;
	s0 =	simm.s32 @!p1 $0x0  }
0x14: {  	s2 =	sld [smem:$0x3F95];
	s0 =	simm.s32 @p1 $0x1  }
0x15: {  	[smem:$0x3FB2] =	sst s0;
	s0 =	simm.s32 @!p2 $0x0  }
0x16: {  	s3 =	sld [smem:$0x3FDB];
	s0 =	simm.s32 @p2 $0x1  }
0x17: {  	s4 =	simm.s32 $0x1BF5;
	[smem:$0x3FB4] =	sst s0  }
0x18: {  	s0 =	sld [smem:$0x3F97];
	_ =	swait.ge [sflag:s4], $0x0  }
0x19: {  	s7 =	sld [smem:$0x3F98]  }
0x1a: {  	s8 =	sadd.s32 $0xFFFFE003, lr  }
0x1b: {  	s9 =	sadd.s32 $0xFFFFFEF7, lr;
	s5 =	simm.s32 $0xFFFFFFFF;
	p2 =	slt.u32 s8, $0xFFFFF086  }
0x1c: {  	p1 =	slt.u32 s9, $0xF7A;
	s5 =	simm.s32 @!p2 $0x0  }
0x1d: {  	s5 =	simm.s32 @p1 $0x1;
	p0 =	seq.s32 s7, s2  }
0x1e: {  	s7 =	smul.u32 @!p0 $0xF7A, s2;
	p2 =	seq.s32 @!p0 s5, $0x0  }
0x1f: {  	s9 =	smul.u32 $0xF7A, s1;
	s8 =	simm.s32 @!p0 $0x1BF5;
	p2 =	por !p2, p0  }
0x20: {  	[sflag:s8] =	ssyncset.s32 @!p0 $0xFFFFF086;
	s6 =	sadd.s32 @!p0 s3, s7;
	s7 =	simm.s32 @!p0 $0x108  }
0x21: {  	s3 =	sadd.s32 s3, s9;
	s6 =	sadd.s32 @!p0 $0x88, s6;
	s7 =	simm.s32 @p2 $0x1082  }
0x22: {  	[simem:s7], [sflag:s8] =	dma.local @!p0 [hbm:s6], $0xF7A  }
0x23: {  	s9 =	sor.u32 $0xD0000000, s2;
	s6 =	simm.s32 $0x108;
	_ =	swait.ge @!p0 [sflag:s8], $0x0  }
0x24: {  	s3 =	sadd.s32 $0x88, s3;
	s6 =	simm.s32 @!p1 $0x1082;
	[sflag:s4] =	ssyncset.s32 $0xFFFFF086  }
0x25: {  	[simem:s6], [sflag:s4] =	dma.local [hbm:s3], $0xF7A  }
0x26: {  	[smem:$0x3F98] =	sst s1;
	(tag) =	ssettag s2;
	_ =	strace s9  }
0x27: {  	s1 =	sld [smem:$0x3FA8]  }
0x28: {  	s2 =	sld [smem:$0x3FA9]  }
0x29: {  	s4 =	sld [smem:$0x3FAB]  }
0x2a: {  	p0 =	seq.s32 s5, $0x0;
	s5 =	sld [smem:$0x3FAC]  }
0x2b: {  	s6 =	sld [smem:$0x3FAD]  }
0x2c: {  	s7 =	sld [smem:$0x3FAE]  }
0x2d: {  	s3 =	simm.s32 $0x108;
	s8 =	sld [smem:$0x3FAF]  }
0x2e: {  	s3 =	simm.s32 @!p0 $0x1082;
	s9 =	sld [smem:$0x3FB0]  }
0x2f: {  	lr =	sadd.s32 s0, s3;
	s0 =	sld [smem:$0x3FA7]  }
0x30: {  	s3 =	sld [smem:$0x3FAA]  }
0x31: {  	[smem:$0x3FB3] =	sst s10  }
0x32: {  	s10 =	sld [smem:$0x3FB1];
	_ =	sdelay $0x3  }
0x33: {  	p0 =	seq.s32 s10, $0x1;
	s10 =	sld [smem:$0x3FB3];
	_ =	sdelay $0x3  }
0x34: {  	[smem:$0x3FB3] =	sst s10  }
0x35: {  	s10 =	sld [smem:$0x3FB2];
	_ =	sdelay $0x3  }
0x36: {  	p1 =	seq.s32 s10, $0x1;
	s10 =	sld [smem:$0x3FB3];
	_ =	sdelay $0x3  }
0x37: {  	[smem:$0x3FB3] =	sst s10  }
0x38: {  	s10 =	sld [smem:$0x3FB4]  }
0x39: {  	_ = 	snop;
	(pc) =	sbr.ind lr, $3  }
0x3a: {  	_ = 	snop  }
0x3b: {  	_ = 	snop  }
0x3c: {  	p2 =	seq.s32 s10, $0x1;
	s10 =	sld [smem:$0x3FB3]  }
0x3d: {  	_ =	shalt  }
0x3e: {  	_ =	shalt  }
0x3f: {  	_ =	shalt  }
0x40: {  	_ =	shalt  }
0x41: {  	_ =	shalt  }
0x42: {  	_ =	shalt  }
0x43: {  	_ =	shalt  }
0x44: {  	_ =	shalt  }
0x45: {  	_ =	shalt  }
0x46: {  	_ =	shalt  }
0x47: {  	_ =	shalt  }
0x48: {  	_ =	shalt  }
0x49: {  	_ =	shalt  }
0x4a: {  	_ =	shalt  }
0x4b: {  	_ =	shalt  }
0x4c: {  	_ =	shalt  }
0x4d: {  	_ =	shalt  }
0x4e: {  	_ =	shalt  }
0x4f: {  	_ =	shalt  }
0x50: {  	_ =	shalt  }
0x51: {  	_ =	shalt  }
0x52: {  	_ =	shalt  }
0x53: {  	_ =	shalt  }
0x54: {  	_ =	shalt  }
0x55: {  	_ =	shalt  }
0x56: {  	_ =	shalt  }
0x57: {  	_ =	shalt  }
0x58: {  	_ =	shalt  }
0x59: {  	_ =	shalt  }
0x5a: {  	_ =	shalt  }
0x5b: {  	_ =	shalt  }
0x5c: {  	_ =	shalt  }
0x5d: {  	_ =	shalt  }
0x5e: {  	_ =	shalt  }
0x5f: {  	_ =	shalt  }
0x60: {  	_ =	shalt  }
0x61: {  	_ =	shalt  }
0x62: {  	_ =	shalt  }
0x63: {  	_ =	shalt  }
0x64: {  	_ =	shalt  }
0x65: {  	_ =	shalt  }
0x66: {  	_ =	shalt  }
0x67: {  	_ =	shalt  }
0x68: {  	_ =	shalt  }
0x69: {  	_ =	shalt  }
0x6a: {  	_ =	shalt  }
0x6b: {  	_ =	shalt  }
0x6c: {  	_ =	shalt  }
0x6d: {  	_ =	shalt  }
0x6e: {  	_ =	shalt  }
0x6f: {  	_ =	shalt  }
0x70: {  	_ =	shalt  }
0x71: {  	_ =	shalt  }
0x72: {  	_ =	shalt  }
0x73: {  	_ =	shalt  }
0x74: {  	_ =	shalt  }
0x75: {  	_ =	shalt  }
0x76: {  	_ =	shalt  }
0x77: {  	_ =	shalt  }
0x78: {  	_ =	shalt  }
0x79: {  	_ =	shalt  }
0x7a: {  	_ =	shalt  }
0x7b: {  	_ =	shalt  }
0x7c: {  	_ =	shalt  }
0x7d: {  	_ =	shalt  }
0x7e: {  	_ =	shalt  }
0x7f: {  	_ =	shalt  }
0x80: {  	_ =	shalt  }
0x81: {  	_ =	shalt  }
0x82: {  	_ =	shalt  }
0x83: {  	_ =	shalt  }
0x84: {  	_ =	shalt  }
0x85: {  	_ =	shalt  }
0x86: {  	_ =	shalt  }
0x87: {  	_ =	shalt  }
.Lfunc_end0:
.L_simem_size_0:
called_computation.1_lowered:
.L_overlay_start_0:
0x88: {  	s2 =	sld [smem:$0x3FD9]  }
0x89: {  	s3 =	sld [smem:$0x3FFE];
	_ =	sdelay $0x1  }
0x8a: {  	s1 =	srdreg.scid  }
0x8b: {  	s0 =	sand.u32 $0x1, s1  }
0x8c: {  	s16 =	sshll.u32 s0, $0xA;
	s2 =	sadd.s32 s3, s2  }
0x8d: {  	s2 =	sadd.s32 s2, s16  }
0x8e: {  	[smem:$0x3FBF] =	sst s2  }
0x8f: {  	_ = 	snop  }
0x90: {  	(tm) =	ssettm $0x1  }
0x91: {  	s17 =	sld [smem:$0x3FFB];
	_ =	sdelay $0x3  }
0x92: {  	_ =	strace s17  }
0x93: {  	s2 =	sld [smem:$0x3FFC];
	_ =	sdelay $0x3  }
0x94: {  	_ =	strace s2  }
0x95: {  	s2 =	sld [smem:$0x3FFD];
	_ =	sdelay $0x3  }
0x96: {  	_ =	strace s2  }
0x97: {  	_ =	strace $0x8FFFFFFF  }
0x98: {  	s18 =	sld [smem:$0x3FDB];
	_ =	sdelay $0x1  }
0x99: {  	s19 =	simm.s32 $_scs_section_size  }
0x9a: {  	s4 =	simm.s32 $_size__tile_overlayer_lowered;
	s5 =	simm.s32 $_tile_overlayer_lowered  }
0x9b: {  	s22 =	simm.s32 $0x1BFF;
	s21 =	sshll.u32 s5, $0x1;
	s2 =	sadd.s32 s19, s18  }
0x9c: {  	s6 =	simm.s32 $0x0;
	s20 =	sshll.u32 s4, $0x1;
	s4 =	sadd.s32 s21, s2  }
0x9d: {  	[timem:s6], [sflag:s22] =	dma.local [hbm:s4], s20  }
0x9e: {  	_ =	swait.ge [sflag:s22], s20  }
0x9f: {  	s3 =	ssub.s32 $0x0, s20;
	[sflag:s22] =	ssyncset.done $0x0  }
0xa0: {  	[sflag:s22] =	ssyncadd.s32 s3;
	_ =	sdelay $0x1  }
0xa1: {  	s23 =	simm.s32 $0x1B8B  }
0xa2: {  	_ =	swait.ge [sflag:s23], $0x1  }
0xa3: {  	[sflag:s23] =	ssyncset.done $0x0  }
0xa4: {  	s25 =	simm.s32 $0x1B8E;
	s24 =	sld [smem:$0x3FFE];
	[sflag:s23] =	ssyncadd.s32 $0xFFFFFFFF  }
0xa5: {  	s26 =	simm.s32 $execute0_lowered;
	[smem:$0x3FD2] =	sst s25  }
0xa6: {  	s4 =	sshll.u32 s26, $0x1;
	_ =	strace $0x80000049;
	[dreg:$0x1] =	wrdreg $0xFFFFFFFF  }
0xa7: {  	s28 =	simm.s32 $_size_execute0_lowered;
	s2 =	sadd.s32 s2, s4;
	[dreg:$0x0] =	wrdreg $0x0  }
0xa8: {  	s4 =	sshll.u32 s28, $0x1;
	[dreg:$0x2] =	wrdreg s2  }
0xa9: {  	[dreg:$0x3] =	wrdreg s4  }
0xaa: {  	[dreg:$0x4] =	wrdreg $0xC0  }
0xab: {  	_ =	task [dreg:s6], $0x5FFFF  }
0xac: {  	[dreg:$0x1] =	wrdreg $0xFFFFFFFF  }
0xad: {  	[dreg:$0x0] =	wrdreg $0x60  }
0xae: {  	[dreg:$0x2] =	wrdreg s24  }
0xaf: {  	[dreg:$0x3] =	wrdreg $0x0  }
0xb0: {  	[dreg:$0x4] =	wrdreg $0x9  }
0xb1: {  	_ =	task.clear_ibuf [dreg:s6], $0x5FFFF;
	_ =	strace $0x90000049  }
0xb2: {  	s29 =	simm.s32 $0x9;
	_ =	strace $0x8000004B  }
0xb3: {  	_ =	swait.ge [sflag:s29], $0x1  }
0xb4: {  	[sflag:s29] =	ssyncadd.s32 $0xFFFFFFFF  }
0xb5: {  	_ =	strace $0x9000004B  }
0xb6: {  	_ =	sfence  }
0xb7: {  	s30 =	sld [smem:$0x0];
	_ =	sdelay $0x2  }
0xb8: {  	s31 =	sshll.u32 s1, $0xD;
	s1 =	sshrl.u32 s1, $0x2  }
0xb9: {  	s3 =	sand.u32 $0x4000, s31;
	s1 =	sadd.s32 s1, s30  }
0xba: {  	s0 =	sor.u32 s3, s0;
	s1 =	sshll.u32 s1, $0x11  }
0xbb: {  	s0 =	sor.u32 s1, s0  }
0xbc: {  	s0 =	sadd.s32 $0x8F2B, s0  }
0xbd: {  	[sflag:s0] =	ssyncadd.remote.s32 $0x1  }
0xbe: {  	_ =	sfence.sel $0xFFFF  }
0xbf: {  	[dreg:$0x0] =	wrdreg $0xFFFFFFFF;
	(pc) =	sbr.abs _section_cstart, $3  }
0xc0: {  	[dreg:$0x1] =	wrdreg $0xFFFFFFFF  }
0xc1: {  	_ =	task.clear_ibuf [dreg:s6], $0x2FFFF;
	_ =	strace $0x9FFFFFFF  }
0xc2: {  	(tm) =	ssettm $0x7FFFFFFF  }
0xc3: {  	_ =	shalt  }
tec
execute0_lowered:
.L_overlay_start_1:
0x0: {  	(tag) =	ssettag $0x1  }
0x1: {  	s6 =	rddreg [dreg:$0x0];
	s1 =	srdreg.scid  }
0x2: {  	s0 =	stileid.u32;
	s2 =	rddreg [dreg:$0x1]  }
0x3: {  	s3 =	simm.s32 $0x0;
	s13 =	simm.s32 $0x50;
	s14 =	simm.s32 $0x1A000  }
0x4: {  	s15 =	simm.s32 $0x138D0;
	s16 =	simm.s32 $0x1C800;
	s19 =	simm.s32 $0x1  }
0x5: {  	s20 =	simm.s32 $0x2;
	s21 =	simm.s32 $0x19D00;
	s22 =	simm.s32 $0x15F40  }
0x6: {  	s23 =	simm.s32 $0x19D80;
	s24 =	simm.s32 $0x19E00;
	s25 =	simm.s32 $0x0  }
0x7: {  	s5 =	sand.u32 $0x1, s1;
	s1 =	rddreg [dreg:$0x2];
	s10 =	smul.u32 $0x3E80, s0  }
0x8: {  	s4 =	sshll.u32 s0, $0x1;
	[smem:$0x7FF] =	sst s3;
	s12 =	smul.u32 $0x7D000, s0  }
0x9: {  	p0 =	sgt.u32 s0, $0x9;
	s7 =	sor.u32 s5, s4;
	_ =	strace $0x8000004A  }
0xa: {  	s9 =	smul.u32 $0x27100, s5;
	s4 =	sadd.s32 $0x1F800, s6;
	s11 =	ssub.s32 $0x2, s5  }
0xb: {  	s5 =	sadd.s32 $0x1B800, s6;
	s17 =	sshll.u32 @!p0 s0, $0x6;
	s8 =	smul.u32 $0x4E2, s7  }
0xc: {  	s7 =	sshll.u32 s7, $0xB;
	s30 =	sshrl.u32 s11, $0x1;
	s31 =	sshrl.u32 s12, $0x2  }
0xd: {  	s12 =	simm.s32 $0x16000;
	s17 =	sor.u32 @!p0 $0x1C03, s17;
	s7 =	sadd.s32 s7, s6  }
0xe: {  	s9 =	sadd.s32 s10, s9;
	s10 =	ssub.s32 s11, s30;
	s18 =	sadd.s32 s31, s2  }
0xf: {  	s11 =	simm.s32 $0x3;
	s8 =	sadd.s32 s8, s6;
	s9 =	sadd.s32 s9, s6  }
0x10: {  	s7 =	sadd.s32 $0xB800, s7;
	s18 =	sshrl.u32 @!p0 s18, $0x3;
	s6 =	sadd.s32 $0x1A00, s8  }
0x11: {  	s8 =	sadd.s32 $0x46A00, s9;
	s9 =	smax.u32 s10, $0x1;
	s10 =	simm.s32 $0x13880  }
.LBB2_1:
0x12: {  	[tilespmem:s10], [sflag:$0x3] =	stream.linear.gather [hbm4b:s6+s3], $0x2710, $0x38;
	[tilespmem:$0x1F000] =	vst v63  }
0x13: {  	_ =	swait.ge [sflag:s11], $0x2710  }
0x14: {  	[sflag:s11] =	ssyncset.done $0x0  }
0x15: {  	[sflag:s11] =	ssyncadd.s32 $0xFFFFD8F0  }
0x16: {  	[tilespmem:s12], [sflag:$0x3] =	stream.linear.gather [hbm4b:s7+s3], $0x3E80, $0x38;
	[tilespmem:$0x1F000] =	vst v63  }
0x17: {  	_ =	swait.ge [sflag:s11], $0x3E80  }
0x18: {  	[sflag:s11] =	ssyncset.done $0x0  }
0x19: {  	[sflag:s11] =	ssyncadd.s32 $0xFFFFC180  }
0x1a: {  	[tilespmem:s14], [sflag:$0x1] =	stream.indirect.gather [hbm4b:s4+s13], $0x80, s10, s13, $0xb8;
	[tilespmem:$0x1F000] =	vst v63  }
0x1b: {  	s26 =	simm.s32 @!p0 $0x3  }
0x1c: {  	[tilespmem:s16], [sflag:$0x2] =	stream.indirect.gather [hbm4b:s4+s13], $0x80, s15, s13, $0xb8;
	[tilespmem:$0x1F000] =	vst v63  }
0x1d: {  	[spmem:s18], [sflag:s17] =	dma.local @!p0 [hbm:s5], $0x3E80  }
0x1e: {  	_ =	swait.ge @!p0 [sflag:s26], $0x3E80  }
0x1f: {  	[sflag:s26] =	ssyncset.done @!p0 $0x0  }
0x20: {  	[sflag:s26] =	ssyncadd.s32 @!p0 $0xFFFFC180  }
0x21: {  	[bflag:$0x0] =	sbarrier.arrive $0xFFFF  }
0x22: {  	_ =	swait.ge [sflag:s19], $0x2800  }
0x23: {  	[sflag:s19] =	ssyncset.done $0x0  }
0x24: {  	s31 =	simm.s32 $0x16000;
	[sflag:s19] =	ssyncadd.s32 $0xFFFFD800  }
0x25: {  	[spmem:s2] =	stream.indirect.scatter.add.f32 [tilespmem:s14], [sflag:$0x3], $0x80, s31, s13, $0xb8;
	[tilespmem:$0x1F000] =	vst v63  }
0x26: {  	_ =	swait.ge [sflag:s11], $0x2800  }
0x27: {  	[sflag:s11] =	ssyncset.done $0x0  }
0x28: {  	s30 =	simm.s32 $0x13920;
	[sflag:s11] =	ssyncadd.s32 $0xFFFFD800  }
0x29: {  	[tilespmem:s14], [sflag:$0x1] =	stream.indirect.gather [hbm4b:s4+s13], $0x80, s30, s13, $0xb8;
	[tilespmem:$0x1F000] =	vst v63  }
0x2a: {  	_ =	swait.ge [sflag:s20], $0x2800  }
0x2b: {  	[sflag:s20] =	ssyncset.done $0x0  }
0x2c: {  	s31 =	simm.s32 $0x16080;
	[sflag:s20] =	ssyncadd.s32 $0xFFFFD800  }
0x2d: {  	[spmem:s2] =	stream.indirect.scatter.add.f32 [tilespmem:s16], [sflag:$0x3], $0x80, s31, s13, $0xb8;
	[tilespmem:$0x1F000] =	vst v63  }
0x2e: {  	_ =	swait.ge [sflag:s11], $0x2800  }
0x2f: {  	s28 =	simm.s32 $0x400;
	[sflag:s11] =	ssyncset.done $0x0  }
0x30: {  	s29 =	simm.s32 $0x13A10;
	s26 =	simm.s32 $0x13970;
	[sflag:s11] =	ssyncadd.s32 $0xFFFFD800  }
.LBB2_2:
0x31: {  	[tilespmem:s16], [sflag:$0x2] =	stream.indirect.gather [hbm4b:s4+s13], $0x80, s26, s13, $0xb8;
	[tilespmem:$0x1F000] =	vst v63  }
0x32: {  	s30 =	smov.u32 s28;
	s26 =	smov.u32 s29  }
0x33: {  	p1 =	sne.s32 s28, $0xF000;
	s28 =	sadd.s32 $0x400, s28;
	_ =	swait.ge [sflag:s19], $0x2800  }
0x34: {  	s30 =	sshra.s32 s30, $0x2;
	[sflag:s19] =	ssyncset.done $0x0  }
0x35: {  	s31 =	sadd.s32 $0x16000, s30;
	[sflag:s19] =	ssyncadd.s32 $0xFFFFD800  }
0x36: {  	[spmem:s2] =	stream.indirect.scatter.add.f32 [tilespmem:s14], [sflag:$0x3], $0x80, s31, s13, $0xb8;
	[tilespmem:$0x1F000] =	vst v63  }
0x37: {  	_ =	swait.ge [sflag:s11], $0x2800  }
0x38: {  	[sflag:s11] =	ssyncset.done $0x0  }
0x39: {  	s31 =	sadd.s32 $0xFFFFFFB0, s29;
	[sflag:s11] =	ssyncadd.s32 $0xFFFFD800  }
0x3a: {  	[tilespmem:s14], [sflag:$0x1] =	stream.indirect.gather [hbm4b:s4+s13], $0x80, s31, s13, $0xb8;
	[tilespmem:$0x1F000] =	vst v63  }
0x3b: {  	_ =	swait.ge [sflag:s20], $0x2800  }
0x3c: {  	[sflag:s20] =	ssyncset.done $0x0  }
.Ltmp0:
0x3d: {  	s30 =	sadd.s32 $0x16080, s30;
	[sflag:s20] =	ssyncadd.s32 $0xFFFFD800;
	(pc) =	sbr.rel @p1 .LBB2_2-.Ltmp0, $4  }
0x3e: {  	[spmem:s2] =	stream.indirect.scatter.add.f32 [tilespmem:s16], [sflag:$0x3], $0x80, s30, s13, $0xb8;
	[tilespmem:$0x1F000] =	vst v63  }
0x3f: {  	_ =	swait.ge [sflag:s11], $0x2800  }
0x40: {  	[sflag:s11] =	ssyncset.done $0x0  }
0x41: {  	s29 =	sadd.s32 $0xA0, s29;
	[sflag:s11] =	ssyncadd.s32 $0xFFFFD800  }
0x42: {  	[tilespmem:s16], [sflag:$0x2] =	stream.indirect.gather [hbm4b:s4+s13], $0x80, s26, s13, $0xb8;
	[tilespmem:$0x1F000] =	vst v63  }
0x43: {  	_ =	swait.ge [sflag:s19], $0x2800  }
0x44: {  	[sflag:s19] =	ssyncset.done $0x0  }
0x45: {  	[sflag:s19] =	ssyncadd.s32 $0xFFFFD800  }
0x46: {  	[spmem:s2] =	stream.indirect.scatter.add.f32 [tilespmem:s14], [sflag:$0x3], $0x80, s21, s13, $0xb8;
	[tilespmem:$0x1F000] =	vst v63  }
0x47: {  	_ =	swait.ge [sflag:s11], $0x2800  }
0x48: {  	[sflag:s11] =	ssyncset.done $0x0  }
0x49: {  	[sflag:s11] =	ssyncadd.s32 $0xFFFFD800  }
0x4a: {  	[tilespmem:s14], [sflag:$0x1] =	stream.indirect.gather [hbm4b:s4+s13], $0x80, s22, s13, $0xb8;
	[tilespmem:$0x1F000] =	vst v63  }
0x4b: {  	_ =	swait.ge [sflag:s20], $0x2800  }
0x4c: {  	[sflag:s20] =	ssyncset.done $0x0  }
0x4d: {  	[sflag:s20] =	ssyncadd.s32 $0xFFFFD800  }
0x4e: {  	[spmem:s2] =	stream.indirect.scatter.add.f32 [tilespmem:s16], [sflag:$0x3], $0x80, s23, s13, $0xb8;
	[tilespmem:$0x1F000] =	vst v63  }
0x4f: {  	_ =	swait.ge [sflag:s11], $0x2800  }
0x50: {  	[sflag:s11] =	ssyncset.done $0x0  }
0x51: {  	[sflag:s11] =	ssyncadd.s32 $0xFFFFD800  }
0x52: {  	_ =	swait.ge [sflag:s19], $0x2800  }
0x53: {  	[sflag:s19] =	ssyncset.done $0x0  }
0x54: {  	[sflag:s19] =	ssyncadd.s32 $0xFFFFD800  }
0x55: {  	[spmem:s2] =	stream.indirect.scatter.add.f32 [tilespmem:s14], [sflag:$0x3], $0x80, s24, s13, $0xb8;
	[tilespmem:$0x1F000] =	vst v63  }
0x56: {  	_ =	swait.ge [sflag:s11], $0x2800  }
0x57: {  	s25 =	sadd.s32 $0x1, s25;
	[sflag:s11] =	ssyncset.done $0x0  }
0x58: {  	p1 =	sne.s32 s25, s9;
	[sflag:s11] =	ssyncadd.s32 $0xFFFFD800  }
.Ltmp1:
0x59: {  	s26 =	simm.s32 @!p0 $0x3;
	[bflag:$0x0] =	sbarrier.arrive $0xFFFF;
	(pc) =	sbr.rel @p1 .LBB2_1-.Ltmp1, $4  }
0x5a: {  	[hbm:s8], [sflag:s17] =	dma.local @!p0 [spmem:s18], $0x3E80  }
0x5b: {  	_ =	swait.ge @!p0 [sflag:s26], $0x3E80  }
0x5c: {  	[sflag:s26] =	ssyncset.done @!p0 $0x0  }
0x5d: {  	[sflag:s26] =	ssyncadd.s32 @!p0 $0xFFFFC180  }
0x5e: {  	_ =	sfence.sel $0x180000  }
0x5f: {  	[bflag:$0x0] =	sbarrier.arrive $0xFFFF  }
0x60: {  	p0 =	sne.s32 s0, $0x0;
	_ =	strace $0x9000004A  }
0x61: {  	s0 =	sadd.s32 @!p0 $0x100000, s1;
	[bflag:$0x2] =	sbarrier.arrive $0xFFFF  }
0x62: {  	[sflag:s0] =	ssyncadd.tile.s32 @!p0 $0x1;
	_ =	shalt  }
.Lfunc_end2:
_tile_overlayer_lowered:
.L_overlay_start_2:
0x63: {  	(tag) =	ssettag $0x2  }
0x64: {  	s0 =	rddreg [dreg:$0x0];
	s2 =	stileid.u32  }
0x65: {  	s1 =	rddreg [dreg:$0x1];
	p0 =	sne.s32 s2, $0x0  }
0x66: {  	s3 =	rddreg [dreg:$0x2];
	[bflag:$0x3] =	sbarrier.arrive $0xFFFF;
	s2 =	simm.s32 @!p0 $0x1C03  }
0x67: {  	[timem:s3], [sflag:s2] =	dma.local @!p0 [hbm:s0], s1  }
0x68: {  	s0 =	simm.s32 @!p0 $0x3  }
0x69: {  	_ =	swait.ge @!p0 [sflag:s0], s1  }
0x6a: {  	s1 =	ssub.s32 @!p0 $0x0, s1;
	[sflag:s0] =	ssyncset.done @!p0 $0x0  }
0x6b: {  	[sflag:s0] =	ssyncadd.s32 @!p0 s1  }
0x6c: {  	[bflag:$0x3] =	sbarrier.arrive $0xFFFF  }
0x6d: {  	_ =	shalt  }

// kernel: kernel.14.cloned.1.call-start
scs
__scs_entry_jumppad:
0x0: {  	(pc) =	sbr.rel $0x88, $3  }
0x1: {  	(tag) =	ssettag $0x0;
	lr =	simm.s32 $0x1  }
0x2: {  	[smem:$0x3F98] =	sst lr;
	_ =	strace $0xD0000000  }
0x3: {  	_ = 	snop  }
0x4: {  	_ = 	snop  }
0x5: {  	_ = 	snop  }
0x6: {  	_ = 	snop  }
0x7: {  	_ = 	snop  }
__scs_overlays_trampoline_lowered:
0x8: {  	[smem:$0x3FA7] =	sst s0  }
0x9: {  	[smem:$0x3FA8] =	sst s1  }
0xa: {  	[smem:$0x3FA9] =	sst s2  }
0xb: {  	[smem:$0x3FAA] =	sst s3  }
0xc: {  	[smem:$0x3FAB] =	sst s4  }
0xd: {  	[smem:$0x3FAC] =	sst s5  }
0xe: {  	[smem:$0x3FAD] =	sst s6  }
0xf: {  	[smem:$0x3FAE] =	sst s7  }
0x10: {  	[smem:$0x3FAF] =	sst s8  }
0x11: {  	[smem:$0x3FB0] =	sst s9;
	s0 =	simm.s32 @!p0 $0x0  }
0x12: {  	s1 =	sld [smem:$0x3F96];
	s0 =	simm.s32 @p0 $0x1  }
0x13: {  	[smem:$0x3FB1] =	sst s0;
	s0 =	simm.s32 @!p1 $0x0  }
0x14: {  	s2 =	sld [smem:$0x3F95];
	s0 =	simm.s32 @p1 $0x1  }
0x15: {  	[smem:$0x3FB2] =	sst s0;
	s0 =	simm.s32 @!p2 $0x0  }
0x16: {  	s3 =	sld [smem:$0x3FDB];
	s0 =	simm.s32 @p2 $0x1  }
0x17: {  	s4 =	simm.s32 $0x1BF5;
	[smem:$0x3FB4] =	sst s0  }
0x18: {  	s0 =	sld [smem:$0x3F97];
	_ =	swait.ge [sflag:s4], $0x0  }
0x19: {  	s7 =	sld [smem:$0x3F98]  }
0x1a: {  	s8 =	sadd.s32 $0xFFFFE003, lr  }
0x1b: {  	s9 =	sadd.s32 $0xFFFFFEF7, lr;
	s5 =	simm.s32 $0xFFFFFFFF;
	p2 =	slt.u32 s8, $0xFFFFF086  }
0x1c: {  	p1 =	slt.u32 s9, $0xF7A;
	s5 =	simm.s32 @!p2 $0x0  }
0x1d: {  	s5 =	simm.s32 @p1 $0x1;
	p0 =	seq.s32 s7, s2  }
0x1e: {  	s7 =	smul.u32 @!p0 $0xF7A, s2;
	p2 =	seq.s32 @!p0 s5, $0x0  }
0x1f: {  	s9 =	smul.u32 $0xF7A, s1;
	s8 =	simm.s32 @!p0 $0x1BF5;
	p2 =	por !p2, p0  }
0x20: {  	[sflag:s8] =	ssyncset.s32 @!p0 $0xFFFFF086;
	s6 =	sadd.s32 @!p0 s3, s7;
	s7 =	simm.s32 @!p0 $0x108  }
0x21: {  	s3 =	sadd.s32 s3, s9;
	s6 =	sadd.s32 @!p0 $0x88, s6;
	s7 =	simm.s32 @p2 $0x1082  }
0x22: {  	[simem:s7], [sflag:s8] =	dma.local @!p0 [hbm:s6], $0xF7A  }
0x23: {  	s9 =	sor.u32 $0xD0000000, s2;
	s6 =	simm.s32 $0x108;
	_ =	swait.ge @!p0 [sflag:s8], $0x0  }
0x24: {  	s3 =	sadd.s32 $0x88, s3;
	s6 =	simm.s32 @!p1 $0x1082;
	[sflag:s4] =	ssyncset.s32 $0xFFFFF086  }
0x25: {  	[simem:s6], [sflag:s4] =	dma.local [hbm:s3], $0xF7A  }
0x26: {  	[smem:$0x3F98] =	sst s1;
	(tag) =	ssettag s2;
	_ =	strace s9  }
0x27: {  	s1 =	sld [smem:$0x3FA8]  }
0x28: {  	s2 =	sld [smem:$0x3FA9]  }
0x29: {  	s4 =	sld [smem:$0x3FAB]  }
0x2a: {  	p0 =	seq.s32 s5, $0x0;
	s5 =	sld [smem:$0x3FAC]  }
0x2b: {  	s6 =	sld [smem:$0x3FAD]  }
0x2c: {  	s7 =	sld [smem:$0x3FAE]  }
0x2d: {  	s3 =	simm.s32 $0x108;
	s8 =	sld [smem:$0x3FAF]  }
0x2e: {  	s3 =	simm.s32 @!p0 $0x1082;
	s9 =	sld [smem:$0x3FB0]  }
0x2f: {  	lr =	sadd.s32 s0, s3;
	s0 =	sld [smem:$0x3FA7]  }
0x30: {  	s3 =	sld [smem:$0x3FAA]  }
0x31: {  	[smem:$0x3FB3] =	sst s10  }
0x32: {  	s10 =	sld [smem:$0x3FB1];
	_ =	sdelay $0x3  }
0x33: {  	p0 =	seq.s32 s10, $0x1;
	s10 =	sld [smem:$0x3FB3];
	_ =	sdelay $0x3  }
0x34: {  	[smem:$0x3FB3] =	sst s10  }
0x35: {  	s10 =	sld [smem:$0x3FB2];
	_ =	sdelay $0x3  }
0x36: {  	p1 =	seq.s32 s10, $0x1;
	s10 =	sld [smem:$0x3FB3];
	_ =	sdelay $0x3  }
0x37: {  	[smem:$0x3FB3] =	sst s10  }
0x38: {  	s10 =	sld [smem:$0x3FB4]  }
0x39: {  	_ = 	snop;
	(pc) =	sbr.ind lr, $3  }
0x3a: {  	_ = 	snop  }
0x3b: {  	_ = 	snop  }
0x3c: {  	p2 =	seq.s32 s10, $0x1;
	s10 =	sld [smem:$0x3FB3]  }
0x3d: {  	_ =	shalt  }
0x3e: {  	_ =	shalt  }
0x3f: {  	_ =	shalt  }
0x40: {  	_ =	shalt  }
0x41: {  	_ =	shalt  }
0x42: {  	_ =	shalt  }
0x43: {  	_ =	shalt  }
0x44: {  	_ =	shalt  }
0x45: {  	_ =	shalt  }
0x46: {  	_ =	shalt  }
0x47: {  	_ =	shalt  }
0x48: {  	_ =	shalt  }
0x49: {  	_ =	shalt  }
0x4a: {  	_ =	shalt  }
0x4b: {  	_ =	shalt  }
0x4c: {  	_ =	shalt  }
0x4d: {  	_ =	shalt  }
0x4e: {  	_ =	shalt  }
0x4f: {  	_ =	shalt  }
0x50: {  	_ =	shalt  }
0x51: {  	_ =	shalt  }
0x52: {  	_ =	shalt  }
0x53: {  	_ =	shalt  }
0x54: {  	_ =	shalt  }
0x55: {  	_ =	shalt  }
0x56: {  	_ =	shalt  }
0x57: {  	_ =	shalt  }
0x58: {  	_ =	shalt  }
0x59: {  	_ =	shalt  }
0x5a: {  	_ =	shalt  }
0x5b: {  	_ =	shalt  }
0x5c: {  	_ =	shalt  }
0x5d: {  	_ =	shalt  }
0x5e: {  	_ =	shalt  }
0x5f: {  	_ =	shalt  }
0x60: {  	_ =	shalt  }
0x61: {  	_ =	shalt  }
0x62: {  	_ =	shalt  }
0x63: {  	_ =	shalt  }
0x64: {  	_ =	shalt  }
0x65: {  	_ =	shalt  }
0x66: {  	_ =	shalt  }
0x67: {  	_ =	shalt  }
0x68: {  	_ =	shalt  }
0x69: {  	_ =	shalt  }
0x6a: {  	_ =	shalt  }
0x6b: {  	_ =	shalt  }
0x6c: {  	_ =	shalt  }
0x6d: {  	_ =	shalt  }
0x6e: {  	_ =	shalt  }
0x6f: {  	_ =	shalt  }
0x70: {  	_ =	shalt  }
0x71: {  	_ =	shalt  }
0x72: {  	_ =	shalt  }
0x73: {  	_ =	shalt  }
0x74: {  	_ =	shalt  }
0x75: {  	_ =	shalt  }
0x76: {  	_ =	shalt  }
0x77: {  	_ =	shalt  }
0x78: {  	_ =	shalt  }
0x79: {  	_ =	shalt  }
0x7a: {  	_ =	shalt  }
0x7b: {  	_ =	shalt  }
0x7c: {  	_ =	shalt  }
0x7d: {  	_ =	shalt  }
0x7e: {  	_ =	shalt  }
0x7f: {  	_ =	shalt  }
0x80: {  	_ =	shalt  }
0x81: {  	_ =	shalt  }
0x82: {  	_ =	shalt  }
0x83: {  	_ =	shalt  }
0x84: {  	_ =	shalt  }
0x85: {  	_ =	shalt  }
0x86: {  	_ =	shalt  }
0x87: {  	_ =	shalt  }
.Lfunc_end0:
.L_simem_size_0:
called_computation.2_lowered:
.L_overlay_start_0:
0x88: {  	s2 =	sld [smem:$0x3FD9]  }
0x89: {  	s3 =	sld [smem:$0x3FFE];
	_ =	sdelay $0x1  }
0x8a: {  	s1 =	srdreg.scid  }
0x8b: {  	s0 =	sand.u32 $0x1, s1  }
0x8c: {  	s16 =	sshll.u32 s0, $0xA;
	s2 =	sadd.s32 s3, s2  }
0x8d: {  	s2 =	sadd.s32 s2, s16  }
0x8e: {  	[smem:$0x3FBF] =	sst s2  }
0x8f: {  	_ = 	snop  }
0x90: {  	(tm) =	ssettm $0x1  }
0x91: {  	s17 =	sld [smem:$0x3FFB];
	_ =	sdelay $0x3  }
0x92: {  	_ =	strace s17  }
0x93: {  	s2 =	sld [smem:$0x3FFC];
	_ =	sdelay $0x3  }
0x94: {  	_ =	strace s2  }
0x95: {  	s2 =	sld [smem:$0x3FFD];
	_ =	sdelay $0x3  }
0x96: {  	_ =	strace s2  }
0x97: {  	_ =	strace $0x8FFFFFFF  }
0x98: {  	s18 =	sld [smem:$0x3FDB];
	_ =	sdelay $0x1  }
0x99: {  	s19 =	simm.s32 $_scs_section_size  }
0x9a: {  	s4 =	simm.s32 $_size__tile_overlayer_lowered;
	s5 =	simm.s32 $_tile_overlayer_lowered  }
0x9b: {  	s22 =	simm.s32 $0x1BFF;
	s21 =	sshll.u32 s5, $0x1;
	s2 =	sadd.s32 s19, s18  }
0x9c: {  	s6 =	simm.s32 $0x0;
	s20 =	sshll.u32 s4, $0x1;
	s4 =	sadd.s32 s21, s2  }
0x9d: {  	[timem:s6], [sflag:s22] =	dma.local [hbm:s4], s20  }
0x9e: {  	_ =	swait.ge [sflag:s22], s20  }
0x9f: {  	s3 =	ssub.s32 $0x0, s20;
	[sflag:s22] =	ssyncset.done $0x0  }
0xa0: {  	[sflag:s22] =	ssyncadd.s32 s3;
	_ =	sdelay $0x1  }
0xa1: {  	s23 =	simm.s32 $0x1B8B  }
0xa2: {  	_ =	swait.ge [sflag:s23], $0x1  }
0xa3: {  	[sflag:s23] =	ssyncset.done $0x0  }
0xa4: {  	s25 =	simm.s32 $0x1B8E;
	s24 =	sld [smem:$0x3FFE];
	[sflag:s23] =	ssyncadd.s32 $0xFFFFFFFF  }
0xa5: {  	s26 =	simm.s32 $execute0_lowered;
	[smem:$0x3FD2] =	sst s25  }
0xa6: {  	s4 =	sshll.u32 s26, $0x1;
	_ =	strace $0x8000004C;
	[dreg:$0x1] =	wrdreg $0xFFFFFFFF  }
0xa7: {  	s28 =	simm.s32 $_size_execute0_lowered;
	s2 =	sadd.s32 s2, s4;
	[dreg:$0x0] =	wrdreg $0x0  }
0xa8: {  	s4 =	sshll.u32 s28, $0x1;
	[dreg:$0x2] =	wrdreg s2  }
0xa9: {  	[dreg:$0x3] =	wrdreg s4  }
0xaa: {  	[dreg:$0x4] =	wrdreg $0xC0  }
0xab: {  	_ =	task [dreg:s6], $0x5FFFF  }
0xac: {  	[dreg:$0x1] =	wrdreg $0xFFFFFFFF  }
0xad: {  	[dreg:$0x0] =	wrdreg $0x60  }
0xae: {  	[dreg:$0x2] =	wrdreg s24  }
0xaf: {  	[dreg:$0x3] =	wrdreg $0x0  }
0xb0: {  	[dreg:$0x4] =	wrdreg $0x9  }
0xb1: {  	_ =	task.clear_ibuf [dreg:s6], $0x5FFFF;
	_ =	strace $0x9000004C  }
0xb2: {  	s29 =	simm.s32 $0x9;
	_ =	strace $0x8000004E  }
0xb3: {  	_ =	swait.ge [sflag:s29], $0x1  }
0xb4: {  	[sflag:s29] =	ssyncadd.s32 $0xFFFFFFFF  }
0xb5: {  	_ =	strace $0x9000004E  }
0xb6: {  	_ =	sfence  }
0xb7: {  	s30 =	sld [smem:$0x0];
	_ =	sdelay $0x2  }
0xb8: {  	s31 =	sshll.u32 s1, $0xD;
	s1 =	sshrl.u32 s1, $0x2  }
0xb9: {  	s3 =	sand.u32 $0x4000, s31;
	s1 =	sadd.s32 s1, s30  }
0xba: {  	s0 =	sor.u32 s3, s0;
	s1 =	sshll.u32 s1, $0x11  }
0xbb: {  	s0 =	sor.u32 s1, s0  }
0xbc: {  	s0 =	sadd.s32 $0x8F2B, s0  }
0xbd: {  	[sflag:s0] =	ssyncadd.remote.s32 $0x1  }
0xbe: {  	_ =	sfence.sel $0xFFFF  }
0xbf: {  	[dreg:$0x0] =	wrdreg $0xFFFFFFFF;
	(pc) =	sbr.abs _section_cstart, $3  }
0xc0: {  	[dreg:$0x1] =	wrdreg $0xFFFFFFFF  }
0xc1: {  	_ =	task.clear_ibuf [dreg:s6], $0x2FFFF;
	_ =	strace $0x9FFFFFFF  }
0xc2: {  	(tm) =	ssettm $0x7FFFFFFF  }
0xc3: {  	_ =	shalt  }
tec
execute0_lowered:
.L_overlay_start_1:
0x0: {  	(tag) =	ssettag $0x1  }
0x1: {  	s6 =	rddreg [dreg:$0x0];
	s1 =	srdreg.scid  }
0x2: {  	s0 =	stileid.u32;
	s2 =	rddreg [dreg:$0x1]  }
0x3: {  	s3 =	simm.s32 $0x0;
	s13 =	simm.s32 $0x50;
	s14 =	simm.s32 $0x1A000  }
0x4: {  	s15 =	simm.s32 $0x138D0;
	s16 =	simm.s32 $0x1C800;
	s19 =	simm.s32 $0x1  }
0x5: {  	s20 =	simm.s32 $0x2;
	s21 =	simm.s32 $0x19D00;
	s22 =	simm.s32 $0x15F40  }
0x6: {  	s23 =	simm.s32 $0x19D80;
	s24 =	simm.s32 $0x19E00;
	s25 =	simm.s32 $0x0  }
0x7: {  	s5 =	sand.u32 $0x1, s1;
	s1 =	rddreg [dreg:$0x2];
	s10 =	smul.u32 $0x3E80, s0  }
0x8: {  	s4 =	sshll.u32 s0, $0x1;
	[smem:$0x7FF] =	sst s3;
	s12 =	smul.u32 $0x7D000, s0  }
0x9: {  	p0 =	sgt.u32 s0, $0x9;
	s7 =	sor.u32 s5, s4;
	_ =	strace $0x8000004D  }
0xa: {  	s9 =	smul.u32 $0x27100, s5;
	s4 =	sadd.s32 $0x1F800, s6;
	s11 =	ssub.s32 $0x2, s5  }
0xb: {  	s5 =	sadd.s32 $0x1B800, s6;
	s17 =	sshll.u32 @!p0 s0, $0x6;
	s8 =	smul.u32 $0x4E2, s7  }
0xc: {  	s7 =	sshll.u32 s7, $0xB;
	s30 =	sshrl.u32 s11, $0x1;
	s31 =	sshrl.u32 s12, $0x2  }
0xd: {  	s12 =	simm.s32 $0x16000;
	s17 =	sor.u32 @!p0 $0x1C03, s17;
	s7 =	sadd.s32 s7, s6  }
0xe: {  	s9 =	sadd.s32 s10, s9;
	s10 =	ssub.s32 s11, s30;
	s18 =	sadd.s32 s31, s2  }
0xf: {  	s11 =	simm.s32 $0x3;
	s8 =	sadd.s32 s8, s6;
	s9 =	sadd.s32 s9, s6  }
0x10: {  	s7 =	sadd.s32 $0xB800, s7;
	s18 =	sshrl.u32 @!p0 s18, $0x3;
	s6 =	sadd.s32 $0x1A00, s8  }
0x11: {  	s8 =	sadd.s32 $0x46A00, s9;
	s9 =	smax.u32 s10, $0x1;
	s10 =	simm.s32 $0x13880  }
.LBB2_1:
0x12: {  	[tilespmem:s10], [sflag:$0x3] =	stream.linear.gather [hbm4b:s6+s3], $0x2710, $0x38;
	[tilespmem:$0x1F000] =	vst v63  }
0x13: {  	_ =	swait.ge [sflag:s11], $0x2710  }
0x14: {  	[sflag:s11] =	ssyncset.done $0x0  }
0x15: {  	[sflag:s11] =	ssyncadd.s32 $0xFFFFD8F0  }
0x16: {  	[tilespmem:s12], [sflag:$0x3] =	stream.linear.gather [hbm4b:s7+s3], $0x3E80, $0x38;
	[tilespmem:$0x1F000] =	vst v63  }
0x17: {  	_ =	swait.ge [sflag:s11], $0x3E80  }
0x18: {  	[sflag:s11] =	ssyncset.done $0x0  }
0x19: {  	[sflag:s11] =	ssyncadd.s32 $0xFFFFC180  }
0x1a: {  	[tilespmem:s14], [sflag:$0x1] =	stream.indirect.gather [hbm4b:s4+s13], $0x80, s10, s13, $0xb8;
	[tilespmem:$0x1F000] =	vst v63  }
0x1b: {  	s26 =	simm.s32 @!p0 $0x3  }
0x1c: {  	[tilespmem:s16], [sflag:$0x2] =	stream.indirect.gather [hbm4b:s4+s13], $0x80, s15, s13, $0xb8;
	[tilespmem:$0x1F000] =	vst v63  }
0x1d: {  	[spmem:s18], [sflag:s17] =	dma.local @!p0 [hbm:s5], $0x3E80  }
0x1e: {  	_ =	swait.ge @!p0 [sflag:s26], $0x3E80  }
0x1f: {  	[sflag:s26] =	ssyncset.done @!p0 $0x0  }
0x20: {  	[sflag:s26] =	ssyncadd.s32 @!p0 $0xFFFFC180  }
0x21: {  	[bflag:$0x0] =	sbarrier.arrive $0xFFFF  }
0x22: {  	_ =	swait.ge [sflag:s19], $0x2800  }
0x23: {  	[sflag:s19] =	ssyncset.done $0x0  }
0x24: {  	s31 =	simm.s32 $0x16000;
	[sflag:s19] =	ssyncadd.s32 $0xFFFFD800  }
0x25: {  	[spmem:s2] =	stream.indirect.scatter.add.f32 [tilespmem:s14], [sflag:$0x3], $0x80, s31, s13, $0xb8;
	[tilespmem:$0x1F000] =	vst v63  }
0x26: {  	_ =	swait.ge [sflag:s11], $0x2800  }
0x27: {  	[sflag:s11] =	ssyncset.done $0x0  }
0x28: {  	s30 =	simm.s32 $0x13920;
	[sflag:s11] =	ssyncadd.s32 $0xFFFFD800  }
0x29: {  	[tilespmem:s14], [sflag:$0x1] =	stream.indirect.gather [hbm4b:s4+s13], $0x80, s30, s13, $0xb8;
	[tilespmem:$0x1F000] =	vst v63  }
0x2a: {  	_ =	swait.ge [sflag:s20], $0x2800  }
0x2b: {  	[sflag:s20] =	ssyncset.done $0x0  }
0x2c: {  	s31 =	simm.s32 $0x16080;
	[sflag:s20] =	ssyncadd.s32 $0xFFFFD800  }
0x2d: {  	[spmem:s2] =	stream.indirect.scatter.add.f32 [tilespmem:s16], [sflag:$0x3], $0x80, s31, s13, $0xb8;
	[tilespmem:$0x1F000] =	vst v63  }
0x2e: {  	_ =	swait.ge [sflag:s11], $0x2800  }
0x2f: {  	s28 =	simm.s32 $0x400;
	[sflag:s11] =	ssyncset.done $0x0  }
0x30: {  	s29 =	simm.s32 $0x13A10;
	s26 =	simm.s32 $0x13970;
	[sflag:s11] =	ssyncadd.s32 $0xFFFFD800  }
.LBB2_2:
0x31: {  	[tilespmem:s16], [sflag:$0x2] =	stream.indirect.gather [hbm4b:s4+s13], $0x80, s26, s13, $0xb8;
	[tilespmem:$0x1F000] =	vst v63  }
0x32: {  	s30 =	smov.u32 s28;
	s26 =	smov.u32 s29  }
0x33: {  	p1 =	sne.s32 s28, $0xF000;
	s28 =	sadd.s32 $0x400, s28;
	_ =	swait.ge [sflag:s19], $0x2800  }
0x34: {  	s30 =	sshra.s32 s30, $0x2;
	[sflag:s19] =	ssyncset.done $0x0  }
0x35: {  	s31 =	sadd.s32 $0x16000, s30;
	[sflag:s19] =	ssyncadd.s32 $0xFFFFD800  }
0x36: {  	[spmem:s2] =	stream.indirect.scatter.add.f32 [tilespmem:s14], [sflag:$0x3], $0x80, s31, s13, $0xb8;
	[tilespmem:$0x1F000] =	vst v63  }
0x37: {  	_ =	swait.ge [sflag:s11], $0x2800  }
0x38: {  	[sflag:s11] =	ssyncset.done $0x0  }
0x39: {  	s31 =	sadd.s32 $0xFFFFFFB0, s29;
	[sflag:s11] =	ssyncadd.s32 $0xFFFFD800  }
0x3a: {  	[tilespmem:s14], [sflag:$0x1] =	stream.indirect.gather [hbm4b:s4+s13], $0x80, s31, s13, $0xb8;
	[tilespmem:$0x1F000] =	vst v63  }
0x3b: {  	_ =	swait.ge [sflag:s20], $0x2800  }
0x3c: {  	[sflag:s20] =	ssyncset.done $0x0  }
.Ltmp0:
0x3d: {  	s30 =	sadd.s32 $0x16080, s30;
	[sflag:s20] =	ssyncadd.s32 $0xFFFFD800;
	(pc) =	sbr.rel @p1 .LBB2_2-.Ltmp0, $4  }
0x3e: {  	[spmem:s2] =	stream.indirect.scatter.add.f32 [tilespmem:s16], [sflag:$0x3], $0x80, s30, s13, $0xb8;
	[tilespmem:$0x1F000] =	vst v63  }
0x3f: {  	_ =	swait.ge [sflag:s11], $0x2800  }
0x40: {  	[sflag:s11] =	ssyncset.done $0x0  }
0x41: {  	s29 =	sadd.s32 $0xA0, s29;
	[sflag:s11] =	ssyncadd.s32 $0xFFFFD800  }
0x42: {  	[tilespmem:s16], [sflag:$0x2] =	stream.indirect.gather [hbm4b:s4+s13], $0x80, s26, s13, $0xb8;
	[tilespmem:$0x1F000] =	vst v63  }
0x43: {  	_ =	swait.ge [sflag:s19], $0x2800  }
0x44: {  	[sflag:s19] =	ssyncset.done $0x0  }
0x45: {  	[sflag:s19] =	ssyncadd.s32 $0xFFFFD800  }
0x46: {  	[spmem:s2] =	stream.indirect.scatter.add.f32 [tilespmem:s14], [sflag:$0x3], $0x80, s21, s13, $0xb8;
	[tilespmem:$0x1F000] =	vst v63  }
0x47: {  	_ =	swait.ge [sflag:s11], $0x2800  }
0x48: {  	[sflag:s11] =	ssyncset.done $0x0  }
0x49: {  	[sflag:s11] =	ssyncadd.s32 $0xFFFFD800  }
0x4a: {  	[tilespmem:s14], [sflag:$0x1] =	stream.indirect.gather [hbm4b:s4+s13], $0x80, s22, s13, $0xb8;
	[tilespmem:$0x1F000] =	vst v63  }
0x4b: {  	_ =	swait.ge [sflag:s20], $0x2800  }
0x4c: {  	[sflag:s20] =	ssyncset.done $0x0  }
0x4d: {  	[sflag:s20] =	ssyncadd.s32 $0xFFFFD800  }
0x4e: {  	[spmem:s2] =	stream.indirect.scatter.add.f32 [tilespmem:s16], [sflag:$0x3], $0x80, s23, s13, $0xb8;
	[tilespmem:$0x1F000] =	vst v63  }
0x4f: {  	_ =	swait.ge [sflag:s11], $0x2800  }
0x50: {  	[sflag:s11] =	ssyncset.done $0x0  }
0x51: {  	[sflag:s11] =	ssyncadd.s32 $0xFFFFD800  }
0x52: {  	_ =	swait.ge [sflag:s19], $0x2800  }
0x53: {  	[sflag:s19] =	ssyncset.done $0x0  }
0x54: {  	[sflag:s19] =	ssyncadd.s32 $0xFFFFD800  }
0x55: {  	[spmem:s2] =	stream.indirect.scatter.add.f32 [tilespmem:s14], [sflag:$0x3], $0x80, s24, s13, $0xb8;
	[tilespmem:$0x1F000] =	vst v63  }
0x56: {  	_ =	swait.ge [sflag:s11], $0x2800  }
0x57: {  	s25 =	sadd.s32 $0x1, s25;
	[sflag:s11] =	ssyncset.done $0x0  }
0x58: {  	p1 =	sne.s32 s25, s9;
	[sflag:s11] =	ssyncadd.s32 $0xFFFFD800  }
.Ltmp1:
0x59: {  	s26 =	simm.s32 @!p0 $0x3;
	[bflag:$0x0] =	sbarrier.arrive $0xFFFF;
	(pc) =	sbr.rel @p1 .LBB2_1-.Ltmp1, $4  }
0x5a: {  	[hbm:s8], [sflag:s17] =	dma.local @!p0 [spmem:s18], $0x3E80  }
0x5b: {  	_ =	swait.ge @!p0 [sflag:s26], $0x3E80  }
0x5c: {  	[sflag:s26] =	ssyncset.done @!p0 $0x0  }
0x5d: {  	[sflag:s26] =	ssyncadd.s32 @!p0 $0xFFFFC180  }
0x5e: {  	_ =	sfence.sel $0x180000  }
0x5f: {  	[bflag:$0x0] =	sbarrier.arrive $0xFFFF  }
0x60: {  	p0 =	sne.s32 s0, $0x0;
	_ =	strace $0x9000004D  }
0x61: {  	s0 =	sadd.s32 @!p0 $0x100000, s1;
	[bflag:$0x2] =	sbarrier.arrive $0xFFFF  }
0x62: {  	[sflag:s0] =	ssyncadd.tile.s32 @!p0 $0x1;
	_ =	shalt  }
.Lfunc_end2:
_tile_overlayer_lowered:
.L_overlay_start_2:
0x63: {  	(tag) =	ssettag $0x2  }
0x64: {  	s0 =	rddreg [dreg:$0x0];
	s2 =	stileid.u32  }
0x65: {  	s1 =	rddreg [dreg:$0x1];
	p0 =	sne.s32 s2, $0x0  }
0x66: {  	s3 =	rddreg [dreg:$0x2];
	[bflag:$0x3] =	sbarrier.arrive $0xFFFF;
	s2 =	simm.s32 @!p0 $0x1C03  }
0x67: {  	[timem:s3], [sflag:s2] =	dma.local @!p0 [hbm:s0], s1  }
0x68: {  	s0 =	simm.s32 @!p0 $0x3  }
0x69: {  	_ =	swait.ge @!p0 [sflag:s0], s1  }
0x6a: {  	s1 =	ssub.s32 @!p0 $0x0, s1;
	[sflag:s0] =	ssyncset.done @!p0 $0x0  }
0x6b: {  	[sflag:s0] =	ssyncadd.s32 @!p0 s1  }
0x6c: {  	[bflag:$0x3] =	sbarrier.arrive $0xFFFF  }
0x6d: {  	_ =	shalt  }

// kernel: kernel.8.cloned.1.call-start
scs
__scs_entry_jumppad:
0x0: {  	(pc) =	sbr.rel $0x88, $3  }
0x1: {  	(tag) =	ssettag $0x0;
	lr =	simm.s32 $0x1  }
0x2: {  	[smem:$0x3F98] =	sst lr;
	_ =	strace $0xD0000000  }
0x3: {  	_ = 	snop  }
0x4: {  	_ = 	snop  }
0x5: {  	_ = 	snop  }
0x6: {  	_ = 	snop  }
0x7: {  	_ = 	snop  }
__scs_overlays_trampoline_lowered:
0x8: {  	[smem:$0x3FA7] =	sst s0  }
0x9: {  	[smem:$0x3FA8] =	sst s1  }
0xa: {  	[smem:$0x3FA9] =	sst s2  }
0xb: {  	[smem:$0x3FAA] =	sst s3  }
0xc: {  	[smem:$0x3FAB] =	sst s4  }
0xd: {  	[smem:$0x3FAC] =	sst s5  }
0xe: {  	[smem:$0x3FAD] =	sst s6  }
0xf: {  	[smem:$0x3FAE] =	sst s7  }
0x10: {  	[smem:$0x3FAF] =	sst s8  }
0x11: {  	[smem:$0x3FB0] =	sst s9;
	s0 =	simm.s32 @!p0 $0x0  }
0x12: {  	s1 =	sld [smem:$0x3F96];
	s0 =	simm.s32 @p0 $0x1  }
0x13: {  	[smem:$0x3FB1] =	sst s0;
	s0 =	simm.s32 @!p1 $0x0  }
0x14: {  	s2 =	sld [smem:$0x3F95];
	s0 =	simm.s32 @p1 $0x1  }
0x15: {  	[smem:$0x3FB2] =	sst s0;
	s0 =	simm.s32 @!p2 $0x0  }
0x16: {  	s3 =	sld [smem:$0x3FDB];
	s0 =	simm.s32 @p2 $0x1  }
0x17: {  	s4 =	simm.s32 $0x1BF5;
	[smem:$0x3FB4] =	sst s0  }
0x18: {  	s0 =	sld [smem:$0x3F97];
	_ =	swait.ge [sflag:s4], $0x0  }
0x19: {  	s7 =	sld [smem:$0x3F98]  }
0x1a: {  	s8 =	sadd.s32 $0xFFFFE003, lr  }
0x1b: {  	s9 =	sadd.s32 $0xFFFFFEF7, lr;
	s5 =	simm.s32 $0xFFFFFFFF;
	p2 =	slt.u32 s8, $0xFFFFF086  }
0x1c: {  	p1 =	slt.u32 s9, $0xF7A;
	s5 =	simm.s32 @!p2 $0x0  }
0x1d: {  	s5 =	simm.s32 @p1 $0x1;
	p0 =	seq.s32 s7, s2  }
0x1e: {  	s7 =	smul.u32 @!p0 $0xF7A, s2;
	p2 =	seq.s32 @!p0 s5, $0x0  }
0x1f: {  	s9 =	smul.u32 $0xF7A, s1;
	s8 =	simm.s32 @!p0 $0x1BF5;
	p2 =	por !p2, p0  }
0x20: {  	[sflag:s8] =	ssyncset.s32 @!p0 $0xFFFFF086;
	s6 =	sadd.s32 @!p0 s3, s7;
	s7 =	simm.s32 @!p0 $0x108  }
0x21: {  	s3 =	sadd.s32 s3, s9;
	s6 =	sadd.s32 @!p0 $0x88, s6;
	s7 =	simm.s32 @p2 $0x1082  }
0x22: {  	[simem:s7], [sflag:s8] =	dma.local @!p0 [hbm:s6], $0xF7A  }
0x23: {  	s9 =	sor.u32 $0xD0000000, s2;
	s6 =	simm.s32 $0x108;
	_ =	swait.ge @!p0 [sflag:s8], $0x0  }
0x24: {  	s3 =	sadd.s32 $0x88, s3;
	s6 =	simm.s32 @!p1 $0x1082;
	[sflag:s4] =	ssyncset.s32 $0xFFFFF086  }
0x25: {  	[simem:s6], [sflag:s4] =	dma.local [hbm:s3], $0xF7A  }
0x26: {  	[smem:$0x3F98] =	sst s1;
	(tag) =	ssettag s2;
	_ =	strace s9  }
0x27: {  	s1 =	sld [smem:$0x3FA8]  }
0x28: {  	s2 =	sld [smem:$0x3FA9]  }
0x29: {  	s4 =	sld [smem:$0x3FAB]  }
0x2a: {  	p0 =	seq.s32 s5, $0x0;
	s5 =	sld [smem:$0x3FAC]  }
0x2b: {  	s6 =	sld [smem:$0x3FAD]  }
0x2c: {  	s7 =	sld [smem:$0x3FAE]  }
0x2d: {  	s3 =	simm.s32 $0x108;
	s8 =	sld [smem:$0x3FAF]  }
0x2e: {  	s3 =	simm.s32 @!p0 $0x1082;
	s9 =	sld [smem:$0x3FB0]  }
0x2f: {  	lr =	sadd.s32 s0, s3;
	s0 =	sld [smem:$0x3FA7]  }
0x30: {  	s3 =	sld [smem:$0x3FAA]  }
0x31: {  	[smem:$0x3FB3] =	sst s10  }
0x32: {  	s10 =	sld [smem:$0x3FB1];
	_ =	sdelay $0x3  }
0x33: {  	p0 =	seq.s32 s10, $0x1;
	s10 =	sld [smem:$0x3FB3];
	_ =	sdelay $0x3  }
0x34: {  	[smem:$0x3FB3] =	sst s10  }
0x35: {  	s10 =	sld [smem:$0x3FB2];
	_ =	sdelay $0x3  }
0x36: {  	p1 =	seq.s32 s10, $0x1;
	s10 =	sld [smem:$0x3FB3];
	_ =	sdelay $0x3  }
0x37: {  	[smem:$0x3FB3] =	sst s10  }
0x38: {  	s10 =	sld [smem:$0x3FB4]  }
0x39: {  	_ = 	snop;
	(pc) =	sbr.ind lr, $3  }
0x3a: {  	_ = 	snop  }
0x3b: {  	_ = 	snop  }
0x3c: {  	p2 =	seq.s32 s10, $0x1;
	s10 =	sld [smem:$0x3FB3]  }
0x3d: {  	_ =	shalt  }
0x3e: {  	_ =	shalt  }
0x3f: {  	_ =	shalt  }
0x40: {  	_ =	shalt  }
0x41: {  	_ =	shalt  }
0x42: {  	_ =	shalt  }
0x43: {  	_ =	shalt  }
0x44: {  	_ =	shalt  }
0x45: {  	_ =	shalt  }
0x46: {  	_ =	shalt  }
0x47: {  	_ =	shalt  }
0x48: {  	_ =	shalt  }
0x49: {  	_ =	shalt  }
0x4a: {  	_ =	shalt  }
0x4b: {  	_ =	shalt  }
0x4c: {  	_ =	shalt  }
0x4d: {  	_ =	shalt  }
0x4e: {  	_ =	shalt  }
0x4f: {  	_ =	shalt  }
0x50: {  	_ =	shalt  }
0x51: {  	_ =	shalt  }
0x52: {  	_ =	shalt  }
0x53: {  	_ =	shalt  }
0x54: {  	_ =	shalt  }
0x55: {  	_ =	shalt  }
0x56: {  	_ =	shalt  }
0x57: {  	_ =	shalt  }
0x58: {  	_ =	shalt  }
0x59: {  	_ =	shalt  }
0x5a: {  	_ =	shalt  }
0x5b: {  	_ =	shalt  }
0x5c: {  	_ =	shalt  }
0x5d: {  	_ =	shalt  }
0x5e: {  	_ =	shalt  }
0x5f: {  	_ =	shalt  }
0x60: {  	_ =	shalt  }
0x61: {  	_ =	shalt  }
0x62: {  	_ =	shalt  }
0x63: {  	_ =	shalt  }
0x64: {  	_ =	shalt  }
0x65: {  	_ =	shalt  }
0x66: {  	_ =	shalt  }
0x67: {  	_ =	shalt  }
0x68: {  	_ =	shalt  }
0x69: {  	_ =	shalt  }
0x6a: {  	_ =	shalt  }
0x6b: {  	_ =	shalt  }
0x6c: {  	_ =	shalt  }
0x6d: {  	_ =	shalt  }
0x6e: {  	_ =	shalt  }
0x6f: {  	_ =	shalt  }
0x70: {  	_ =	shalt  }
0x71: {  	_ =	shalt  }
0x72: {  	_ =	shalt  }
0x73: {  	_ =	shalt  }
0x74: {  	_ =	shalt  }
0x75: {  	_ =	shalt  }
0x76: {  	_ =	shalt  }
0x77: {  	_ =	shalt  }
0x78: {  	_ =	shalt  }
0x79: {  	_ =	shalt  }
0x7a: {  	_ =	shalt  }
0x7b: {  	_ =	shalt  }
0x7c: {  	_ =	shalt  }
0x7d: {  	_ =	shalt  }
0x7e: {  	_ =	shalt  }
0x7f: {  	_ =	shalt  }
0x80: {  	_ =	shalt  }
0x81: {  	_ =	shalt  }
0x82: {  	_ =	shalt  }
0x83: {  	_ =	shalt  }
0x84: {  	_ =	shalt  }
0x85: {  	_ =	shalt  }
0x86: {  	_ =	shalt  }
0x87: {  	_ =	shalt  }
.Lfunc_end0:
.L_simem_size_0:
called_computation_lowered:
.L_overlay_start_0:
0x88: {  	s2 =	sld [smem:$0x3FD9]  }
0x89: {  	s3 =	sld [smem:$0x3FFE];
	_ =	sdelay $0x1  }
0x8a: {  	s1 =	srdreg.scid  }
0x8b: {  	s0 =	sand.u32 $0x1, s1  }
0x8c: {  	s17 =	sshll.u32 s0, $0xA;
	s2 =	sadd.s32 s3, s2  }
0x8d: {  	s2 =	sadd.s32 s2, s17  }
0x8e: {  	[smem:$0x3FBF] =	sst s2  }
0x8f: {  	_ = 	snop  }
0x90: {  	s2 =	sld [smem:$0x3FC9];
	(tm) =	ssettm $0x1  }
0x91: {  	s18 =	sld [smem:$0x3FFB];
	_ =	sdelay $0x3  }
0x92: {  	_ =	strace s18  }
0x93: {  	s3 =	sld [smem:$0x3FFC];
	_ =	sdelay $0x3  }
0x94: {  	_ =	strace s3  }
0x95: {  	s3 =	sld [smem:$0x3FFD];
	_ =	sdelay $0x3  }
0x96: {  	_ =	strace s3  }
0x97: {  	_ =	strace $0x8FFFFFFF  }
0x98: {  	s19 =	sld [smem:$0x3FDB];
	_ =	sdelay $0x1  }
0x99: {  	s4 =	simm.s32 $_scs_section_size  }
0x9a: {  	s5 =	simm.s32 $_size__tile_overlayer_lowered;
	s6 =	simm.s32 $_tile_overlayer_lowered  }
0x9b: {  	s22 =	simm.s32 $0x1BFF;
	s21 =	sshll.u32 s6, $0x1;
	s3 =	sadd.s32 s4, s19  }
0x9c: {  	s7 =	simm.s32 $0x0;
	s20 =	sshll.u32 s5, $0x1;
	s5 =	sadd.s32 s21, s3  }
0x9d: {  	[timem:s7], [sflag:s22] =	dma.local [hbm:s5], s20  }
0x9e: {  	_ =	swait.ge [sflag:s22], s20  }
0x9f: {  	s4 =	ssub.s32 $0x0, s20;
	[sflag:s22] =	ssyncset.done $0x0  }
0xa0: {  	[sflag:s22] =	ssyncadd.s32 s4;
	_ =	sdelay $0x1  }
0xa1: {  	s23 =	simm.s32 $0x1B8B  }
0xa2: {  	_ =	swait.ge [sflag:s23], $0x1  }
0xa3: {  	[sflag:s23] =	ssyncset.done $0x0  }
0xa4: {  	s25 =	simm.s32 $0x1B8E;
	s24 =	sld [smem:$0x3FFE];
	[sflag:s23] =	ssyncadd.s32 $0xFFFFFFFF  }
0xa5: {  	s26 =	simm.s32 $execute0_lowered;
	[smem:$0x3FD2] =	sst s25  }
0xa6: {  	s5 =	sshll.u32 s26, $0x1;
	_ =	strace $0x80000046;
	[dreg:$0x1] =	wrdreg $0xFFFFFFFF  }
0xa7: {  	s28 =	simm.s32 $_size_execute0_lowered;
	s3 =	sadd.s32 s3, s5;
	[dreg:$0x0] =	wrdreg $0x0  }
0xa8: {  	s5 =	sshll.u32 s28, $0x1;
	[dreg:$0x2] =	wrdreg s3  }
0xa9: {  	[dreg:$0x3] =	wrdreg s5  }
0xaa: {  	[dreg:$0x4] =	wrdreg $0xC0  }
0xab: {  	_ =	task [dreg:s7], $0x5FFFF  }
0xac: {  	[dreg:$0x1] =	wrdreg $0xFFFFFFFF  }
0xad: {  	[dreg:$0x0] =	wrdreg $0x60  }
0xae: {  	[dreg:$0x2] =	wrdreg s2  }
0xaf: {  	[dreg:$0x3] =	wrdreg s24  }
0xb0: {  	[dreg:$0x4] =	wrdreg $0x0  }
0xb1: {  	[dreg:$0x5] =	wrdreg $0x9  }
0xb2: {  	_ =	task.clear_ibuf [dreg:s7], $0x6FFFF;
	_ =	strace $0x90000046  }
0xb3: {  	s29 =	simm.s32 $0x9;
	_ =	strace $0x80000048  }
0xb4: {  	_ =	swait.ge [sflag:s29], $0x1  }
0xb5: {  	[sflag:s29] =	ssyncadd.s32 $0xFFFFFFFF  }
0xb6: {  	_ =	strace $0x90000048  }
0xb7: {  	_ =	sfence  }
0xb8: {  	s30 =	sld [smem:$0x0];
	_ =	sdelay $0x2  }
0xb9: {  	s31 =	sshll.u32 s1, $0xD;
	s1 =	sshrl.u32 s1, $0x2  }
0xba: {  	s3 =	sand.u32 $0x4000, s31;
	s1 =	sadd.s32 s1, s30  }
0xbb: {  	s0 =	sor.u32 s3, s0;
	s1 =	sshll.u32 s1, $0x11  }
0xbc: {  	s0 =	sor.u32 s1, s0  }
0xbd: {  	s0 =	sadd.s32 $0x8F2B, s0  }
0xbe: {  	[sflag:s0] =	ssyncadd.remote.s32 $0x1  }
0xbf: {  	_ =	sfence.sel $0xFFFF  }
0xc0: {  	[dreg:$0x0] =	wrdreg $0xFFFFFFFF;
	(pc) =	sbr.abs _section_cstart, $3  }
0xc1: {  	[dreg:$0x1] =	wrdreg $0xFFFFFFFF  }
0xc2: {  	_ =	task.clear_ibuf [dreg:s7], $0x2FFFF;
	_ =	strace $0x9FFFFFFF  }
0xc3: {  	(tm) =	ssettm $0x7FFFFFFF  }
tec
execute0_lowered:
.L_overlay_start_1:
0x0: {  	(tag) =	ssettag $0x1  }
0x1: {  	s1 =	rddreg [dreg:$0x0];
	s2 =	srdreg.scid  }
0x2: {  	s0 =	stileid.u32;
	s6 =	rddreg [dreg:$0x1]  }
0x3: {  	s3 =	rddreg [dreg:$0x2];
	s4 =	simm.s32 $0x0;
	s13 =	simm.s32 $0x50  }
0x4: {  	s14 =	simm.s32 $0x1A000;
	s15 =	simm.s32 $0x138D0;
	s16 =	simm.s32 $0x1C800  }
0x5: {  	s19 =	simm.s32 $0x1;
	s20 =	simm.s32 $0x2;
	s21 =	simm.s32 $0x19D00  }
0x6: {  	s22 =	simm.s32 $0x15F40;
	s23 =	simm.s32 $0x19D80;
	s24 =	simm.s32 $0x19E00  }
0x7: {  	s25 =	simm.s32 $0x0;
	s5 =	sand.u32 $0x1, s2;
	s2 =	rddreg [dreg:$0x3]  }
0x8: {  	s29 =	sshll.u32 s0, $0x1;
	[smem:$0x7FF] =	sst s4;
	s10 =	smul.u32 $0x3E80, s0  }
0x9: {  	s12 =	smul.u32 $0x7D000, s0;
	p0 =	sgt.u32 s0, $0x9;
	s7 =	sor.u32 s5, s29  }
0xa: {  	s9 =	smul.u32 $0x27100, s5;
	_ =	strace $0x80000047;
	s11 =	ssub.s32 $0x2, s5  }
0xb: {  	s5 =	sadd.s32 $0x1B800, s6;
	s17 =	sshll.u32 @!p0 s0, $0x6;
	s8 =	smul.u32 $0x4E2, s7  }
0xc: {  	s7 =	sshll.u32 s7, $0xB;
	s30 =	sshrl.u32 s11, $0x1;
	s31 =	sshrl.u32 s12, $0x2  }
0xd: {  	s12 =	simm.s32 $0x16000;
	s17 =	sor.u32 @!p0 $0x1C03, s17;
	s7 =	sadd.s32 s7, s6  }
0xe: {  	s9 =	sadd.s32 s10, s9;
	s10 =	ssub.s32 s11, s30;
	s18 =	sadd.s32 s31, s3  }
0xf: {  	s11 =	simm.s32 $0x3;
	s8 =	sadd.s32 s8, s6;
	s9 =	sadd.s32 s9, s6  }
0x10: {  	s7 =	sadd.s32 $0xB800, s7;
	s18 =	sshrl.u32 @!p0 s18, $0x3;
	s6 =	sadd.s32 $0x1A00, s8  }
0x11: {  	s8 =	sadd.s32 $0x1F800, s9;
	s9 =	smax.u32 s10, $0x1;
	s10 =	simm.s32 $0x13880  }
.LBB2_1:
0x12: {  	[tilespmem:s10], [sflag:$0x3] =	stream.linear.gather [hbm4b:s6+s4], $0x2710, $0x38;
	[tilespmem:$0x1F000] =	vst v63  }
0x13: {  	_ =	swait.ge [sflag:s11], $0x2710  }
0x14: {  	[sflag:s11] =	ssyncset.done $0x0  }
0x15: {  	[sflag:s11] =	ssyncadd.s32 $0xFFFFD8F0  }
0x16: {  	[tilespmem:s12], [sflag:$0x3] =	stream.linear.gather [hbm4b:s7+s4], $0x3E80, $0x38;
	[tilespmem:$0x1F000] =	vst v63  }
0x17: {  	_ =	swait.ge [sflag:s11], $0x3E80  }
0x18: {  	[sflag:s11] =	ssyncset.done $0x0  }
0x19: {  	[sflag:s11] =	ssyncadd.s32 $0xFFFFC180  }
0x1a: {  	[tilespmem:s14], [sflag:$0x1] =	stream.indirect.gather [hbm4b:s1+s13], $0x80, s10, s13, $0xb8;
	[tilespmem:$0x1F000] =	vst v63  }
0x1b: {  	s26 =	simm.s32 @!p0 $0x3  }
0x1c: {  	[tilespmem:s16], [sflag:$0x2] =	stream.indirect.gather [hbm4b:s1+s13], $0x80, s15, s13, $0xb8;
	[tilespmem:$0x1F000] =	vst v63  }
0x1d: {  	[spmem:s18], [sflag:s17] =	dma.local @!p0 [hbm:s5], $0x3E80  }
0x1e: {  	_ =	swait.ge @!p0 [sflag:s26], $0x3E80  }
0x1f: {  	[sflag:s26] =	ssyncset.done @!p0 $0x0  }
0x20: {  	[sflag:s26] =	ssyncadd.s32 @!p0 $0xFFFFC180  }
0x21: {  	[bflag:$0x0] =	sbarrier.arrive $0xFFFF  }
0x22: {  	_ =	swait.ge [sflag:s19], $0x2800  }
0x23: {  	[sflag:s19] =	ssyncset.done $0x0  }
0x24: {  	s31 =	simm.s32 $0x16000;
	[sflag:s19] =	ssyncadd.s32 $0xFFFFD800  }
0x25: {  	[spmem:s3] =	stream.indirect.scatter.add.f32 [tilespmem:s14], [sflag:$0x3], $0x80, s31, s13, $0xb8;
	[tilespmem:$0x1F000] =	vst v63  }
0x26: {  	_ =	swait.ge [sflag:s11], $0x2800  }
0x27: {  	[sflag:s11] =	ssyncset.done $0x0  }
0x28: {  	s30 =	simm.s32 $0x13920;
	[sflag:s11] =	ssyncadd.s32 $0xFFFFD800  }
0x29: {  	[tilespmem:s14], [sflag:$0x1] =	stream.indirect.gather [hbm4b:s1+s13], $0x80, s30, s13, $0xb8;
	[tilespmem:$0x1F000] =	vst v63  }
0x2a: {  	_ =	swait.ge [sflag:s20], $0x2800  }
0x2b: {  	[sflag:s20] =	ssyncset.done $0x0  }
0x2c: {  	s31 =	simm.s32 $0x16080;
	[sflag:s20] =	ssyncadd.s32 $0xFFFFD800  }
0x2d: {  	[spmem:s3] =	stream.indirect.scatter.add.f32 [tilespmem:s16], [sflag:$0x3], $0x80, s31, s13, $0xb8;
	[tilespmem:$0x1F000] =	vst v63  }
0x2e: {  	_ =	swait.ge [sflag:s11], $0x2800  }
0x2f: {  	s28 =	simm.s32 $0x400;
	[sflag:s11] =	ssyncset.done $0x0  }
0x30: {  	s29 =	simm.s32 $0x13A10;
	s26 =	simm.s32 $0x13970;
	[sflag:s11] =	ssyncadd.s32 $0xFFFFD800  }
.LBB2_2:
0x31: {  	[tilespmem:s16], [sflag:$0x2] =	stream.indirect.gather [hbm4b:s1+s13], $0x80, s26, s13, $0xb8;
	[tilespmem:$0x1F000] =	vst v63  }
0x32: {  	s30 =	smov.u32 s28;
	s26 =	smov.u32 s29  }
0x33: {  	p1 =	sne.s32 s28, $0xF000;
	s28 =	sadd.s32 $0x400, s28;
	_ =	swait.ge [sflag:s19], $0x2800  }
0x34: {  	s30 =	sshra.s32 s30, $0x2;
	[sflag:s19] =	ssyncset.done $0x0  }
0x35: {  	s31 =	sadd.s32 $0x16000, s30;
	[sflag:s19] =	ssyncadd.s32 $0xFFFFD800  }
0x36: {  	[spmem:s3] =	stream.indirect.scatter.add.f32 [tilespmem:s14], [sflag:$0x3], $0x80, s31, s13, $0xb8;
	[tilespmem:$0x1F000] =	vst v63  }
0x37: {  	_ =	swait.ge [sflag:s11], $0x2800  }
0x38: {  	[sflag:s11] =	ssyncset.done $0x0  }
0x39: {  	s31 =	sadd.s32 $0xFFFFFFB0, s29;
	[sflag:s11] =	ssyncadd.s32 $0xFFFFD800  }
0x3a: {  	[tilespmem:s14], [sflag:$0x1] =	stream.indirect.gather [hbm4b:s1+s13], $0x80, s31, s13, $0xb8;
	[tilespmem:$0x1F000] =	vst v63  }
0x3b: {  	_ =	swait.ge [sflag:s20], $0x2800  }
0x3c: {  	[sflag:s20] =	ssyncset.done $0x0  }
.Ltmp0:
0x3d: {  	s30 =	sadd.s32 $0x16080, s30;
	[sflag:s20] =	ssyncadd.s32 $0xFFFFD800;
	(pc) =	sbr.rel @p1 .LBB2_2-.Ltmp0, $4  }
0x3e: {  	[spmem:s3] =	stream.indirect.scatter.add.f32 [tilespmem:s16], [sflag:$0x3], $0x80, s30, s13, $0xb8;
	[tilespmem:$0x1F000] =	vst v63  }
0x3f: {  	_ =	swait.ge [sflag:s11], $0x2800  }
0x40: {  	[sflag:s11] =	ssyncset.done $0x0  }
0x41: {  	s29 =	sadd.s32 $0xA0, s29;
	[sflag:s11] =	ssyncadd.s32 $0xFFFFD800  }
0x42: {  	[tilespmem:s16], [sflag:$0x2] =	stream.indirect.gather [hbm4b:s1+s13], $0x80, s26, s13, $0xb8;
	[tilespmem:$0x1F000] =	vst v63  }
0x43: {  	_ =	swait.ge [sflag:s19], $0x2800  }
0x44: {  	[sflag:s19] =	ssyncset.done $0x0  }
0x45: {  	[sflag:s19] =	ssyncadd.s32 $0xFFFFD800  }
0x46: {  	[spmem:s3] =	stream.indirect.scatter.add.f32 [tilespmem:s14], [sflag:$0x3], $0x80, s21, s13, $0xb8;
	[tilespmem:$0x1F000] =	vst v63  }
0x47: {  	_ =	swait.ge [sflag:s11], $0x2800  }
0x48: {  	[sflag:s11] =	ssyncset.done $0x0  }
0x49: {  	[sflag:s11] =	ssyncadd.s32 $0xFFFFD800  }
0x4a: {  	[tilespmem:s14], [sflag:$0x1] =	stream.indirect.gather [hbm4b:s1+s13], $0x80, s22, s13, $0xb8;
	[tilespmem:$0x1F000] =	vst v63  }
0x4b: {  	_ =	swait.ge [sflag:s20], $0x2800  }
0x4c: {  	[sflag:s20] =	ssyncset.done $0x0  }
0x4d: {  	[sflag:s20] =	ssyncadd.s32 $0xFFFFD800  }
0x4e: {  	[spmem:s3] =	stream.indirect.scatter.add.f32 [tilespmem:s16], [sflag:$0x3], $0x80, s23, s13, $0xb8;
	[tilespmem:$0x1F000] =	vst v63  }
0x4f: {  	_ =	swait.ge [sflag:s11], $0x2800  }
0x50: {  	[sflag:s11] =	ssyncset.done $0x0  }
0x51: {  	[sflag:s11] =	ssyncadd.s32 $0xFFFFD800  }
0x52: {  	_ =	swait.ge [sflag:s19], $0x2800  }
0x53: {  	[sflag:s19] =	ssyncset.done $0x0  }
0x54: {  	[sflag:s19] =	ssyncadd.s32 $0xFFFFD800  }
0x55: {  	[spmem:s3] =	stream.indirect.scatter.add.f32 [tilespmem:s14], [sflag:$0x3], $0x80, s24, s13, $0xb8;
	[tilespmem:$0x1F000] =	vst v63  }
0x56: {  	_ =	swait.ge [sflag:s11], $0x2800  }
0x57: {  	s25 =	sadd.s32 $0x1, s25;
	[sflag:s11] =	ssyncset.done $0x0  }
0x58: {  	p1 =	sne.s32 s25, s9;
	[sflag:s11] =	ssyncadd.s32 $0xFFFFD800  }
.Ltmp1:
0x59: {  	s26 =	simm.s32 @!p0 $0x3;
	[bflag:$0x0] =	sbarrier.arrive $0xFFFF;
	(pc) =	sbr.rel @p1 .LBB2_1-.Ltmp1, $4  }
0x5a: {  	[hbm:s8], [sflag:s17] =	dma.local @!p0 [spmem:s18], $0x3E80  }
0x5b: {  	_ =	swait.ge @!p0 [sflag:s26], $0x3E80  }
0x5c: {  	[sflag:s26] =	ssyncset.done @!p0 $0x0  }
0x5d: {  	[sflag:s26] =	ssyncadd.s32 @!p0 $0xFFFFC180  }
0x5e: {  	_ =	sfence.sel $0x180000  }
0x5f: {  	[bflag:$0x0] =	sbarrier.arrive $0xFFFF  }
0x60: {  	p0 =	sne.s32 s0, $0x0;
	_ =	strace $0x90000047  }
0x61: {  	s0 =	sadd.s32 @!p0 $0x100000, s2;
	[bflag:$0x2] =	sbarrier.arrive $0xFFFF  }
0x62: {  	[sflag:s0] =	ssyncadd.tile.s32 @!p0 $0x1;
	_ =	shalt  }
.Lfunc_end2:
_tile_overlayer_lowered:
.L_overlay_start_2:
0x63: {  	(tag) =	ssettag $0x2  }
0x64: {  	s0 =	rddreg [dreg:$0x0];
	s2 =	stileid.u32  }
0x65: {  	s1 =	rddreg [dreg:$0x1];
	p0 =	sne.s32 s2, $0x0  }
0x66: {  	s3 =	rddreg [dreg:$0x2];
	[bflag:$0x3] =	sbarrier.arrive $0xFFFF;
	s2 =	simm.s32 @!p0 $0x1C03  }
0x67: {  	[timem:s3], [sflag:s2] =	dma.local @!p0 [hbm:s0], s1  }
0x68: {  	s0 =	simm.s32 @!p0 $0x3  }
0x69: {  	_ =	swait.ge @!p0 [sflag:s0], s1  }
0x6a: {  	s1 =	ssub.s32 @!p0 $0x0, s1;
	[sflag:s0] =	ssyncset.done @!p0 $0x0  }
0x6b: {  	[sflag:s0] =	ssyncadd.s32 @!p0 s1  }
0x6c: {  	[bflag:$0x3] =	sbarrier.arrive $0xFFFF  }
0x6d: {  	_ =	shalt  }

</sc_bundles>
